<compile_context>
chip_gen: v7x
topology: tpu7x:2x2x1
jax: 0.10.2.dev20260603
libtpu: 0.0.44.dev20260713+nightly
codegen_flags: <defaults>
</compile_context>

<pallas_src>
import functools

import jax
import jax.numpy as jnp
from jax import lax
from jax.experimental import pallas as pl
from jax.experimental.pallas import tpu as pltpu
from jax.experimental.pallas import tpu_sc as plsc

_NUM_CORES = 2
_NUM_SUBCORES = 16
_LANES = 16
_NW = _NUM_CORES * _NUM_SUBCORES


@functools.lru_cache(maxsize=None)
def _build_sc_kernel(B: int, D: int):
    assert B % (_NW * _LANES) == 0
    bpw = B // _NW
    groups = bpw // _LANES

    mesh = plsc.VectorSubcoreMesh(core_axis_name="c", subcore_axis_name="s")

    @functools.partial(
        pl.kernel,
        mesh=mesh,
        out_type=jax.ShapeDtypeStruct((B,), jnp.float32),
        compiler_params=pltpu.CompilerParams(
            needs_layout_passes=False, use_tc_tiling_on_sc=False),
        scratch_types=[
            pltpu.VMEM((bpw,), jnp.int32),
            pltpu.VMEM((bpw,), jnp.int32),
            pltpu.VMEM((bpw, D), jnp.float32),
            pltpu.VMEM((bpw, D), jnp.float32),
            pltpu.VMEM((bpw, 1), jnp.float32),
            pltpu.VMEM((bpw, 1), jnp.float32),
            pltpu.VMEM((bpw,), jnp.float32),
            pltpu.SemaphoreType.DMA,
        ],
    )
    def body(uid_hbm, iid_hbm, uemb_hbm, iemb_hbm, ubias_hbm, ibias_hbm,
             out_hbm, uid_v, iid_v, urows, irows, ub_v, ib_v, out_v, sem):
        wid = lax.axis_index("s") * _NUM_CORES + lax.axis_index("c")
        base = wid * bpw

        pltpu.sync_copy(uid_hbm.at[pl.ds(base, bpw)], uid_v)
        pltpu.sync_copy(iid_hbm.at[pl.ds(base, bpw)], iid_v)

        c0 = pltpu.async_copy(uemb_hbm.at[uid_v], urows, sem)
        c1 = pltpu.async_copy(iemb_hbm.at[iid_v], irows, sem)
        c2 = pltpu.async_copy(ubias_hbm.at[uid_v], ub_v, sem)
        c3 = pltpu.async_copy(ibias_hbm.at[iid_v], ib_v, sem)
        c0.wait()
        c1.wait()
        c2.wait()
        c3.wait()

        def group(g, carry):
            gbase = g * _LANES
            rows = gbase + lax.iota(jnp.int32, _LANES)
            zeros = jnp.zeros((_LANES,), jnp.int32)
            acc = (plsc.load_gather(ub_v, [rows, zeros])
                   + plsc.load_gather(ib_v, [rows, zeros]))
            for d in range(D):
                col = jnp.full((_LANES,), d, jnp.int32)
                acc = acc + (plsc.load_gather(urows, [rows, col])
                             * plsc.load_gather(irows, [rows, col]))
            out_v[pl.ds(gbase, _LANES)] = acc
            return carry

        lax.fori_loop(0, groups, group, 0)
        pltpu.sync_copy(out_v, out_hbm.at[pl.ds(base, bpw)])

    return body


def kernel(user_id, item_id, user_emb, item_emb, user_bias, item_bias):
    B = user_id.shape[0]
    D = user_emb.shape[1]
    fn = _build_sc_kernel(B, D)
    return fn(
        user_id.astype(jnp.int32),
        item_id.astype(jnp.int32),
        user_emb,
        item_emb,
        user_bias,
        item_bias,
    )

# --- scband reference (transcript-rebuilt; emitter-appended) ---
"""Pipeline reference for scband-bi-linear-net-4088808866029 (READ-ONLY COPY).

The authoritative reference and input builder live on the scoring server;
editing this copy changes nothing except your own understanding.
"""

import jax, jax.numpy as jnp
import numpy as np

NUM_USERS = 1000000
NUM_ITEMS = 1000000
DIM = 32
BATCH = 16384


def setup_inputs(seed: int = 0) -> dict:
    key = jax.random.key(seed)
    k1, k2, k3, k4 = jax.random.split(key, 4)
    user_id = jax.random.randint(k1, (BATCH,), 0, NUM_USERS, dtype=jnp.int64 if jax.config.jax_enable_x64 else jnp.int32)
    item_id = jax.random.randint(k2, (BATCH,), 0, NUM_ITEMS, dtype=jnp.int64 if jax.config.jax_enable_x64 else jnp.int32)
    user_emb = jax.random.normal(k3, (NUM_USERS, DIM), dtype=jnp.float32) * (1.0 / DIM)
    item_emb = jax.random.normal(k4, (NUM_ITEMS, DIM), dtype=jnp.float32) * (1.0 / DIM)
    user_bias = jnp.zeros((NUM_USERS, 1), dtype=jnp.float32)
    item_bias = jnp.zeros((NUM_ITEMS, 1), dtype=jnp.float32)
    return {
        "user_id": user_id,
        "item_id": item_id,
        "user_emb": user_emb,
        "item_emb": item_emb,
        "user_bias": user_bias,
        "item_bias": item_bias,
    }


def reference(user_id, item_id, user_emb, item_emb, user_bias, item_bias):
    u_emb = jnp.take(user_emb, user_id, axis=0)           # [B, D]
    i_emb = jnp.take(item_emb, item_id, axis=0)           # [B, D]
    u_b = jnp.take(user_bias, user_id, axis=0).squeeze(-1)  # [B]
    i_b = jnp.take(item_bias, item_id, axis=0).squeeze(-1)  # [B]
    dot_ = (u_emb * i_emb).sum(axis=1)                    # [B]
    return dot_ + u_b + i_b

if __name__ == "__main__":
    import jax
    _d = setup_inputs()
    print(jax.jit(kernel)(*tuple(_d.values())))

</pallas_src>

<mosaic_0001>
#map = affine_map<(d0, d1) -> (0)>
#map1 = affine_map<(d0, d1) -> (0, 0)>
module attributes {stable_mosaic.version = 14 : i64} {
  func.func @body(%arg0: i32, %arg1: i32, %arg2: memref<16384xi32, #tpu.memory_space<hbm>>, %arg3: memref<16384xi32, #tpu.memory_space<hbm>>, %arg4: memref<1000000x32xf32, #tpu.memory_space<hbm>>, %arg5: memref<1000000x32xf32, #tpu.memory_space<hbm>>, %arg6: memref<1000000x1xf32, #tpu.memory_space<hbm>>, %arg7: memref<1000000x1xf32, #tpu.memory_space<hbm>>, %arg8: memref<16384xf32, #tpu.memory_space<hbm>>, %arg9: memref<512xi32, #tpu.memory_space<vmem>>, %arg10: memref<512xi32, #tpu.memory_space<vmem>>, %arg11: memref<512x32xf32, #tpu.memory_space<vmem>>, %arg12: memref<512x32xf32, #tpu.memory_space<vmem>>, %arg13: memref<512x1xf32, #tpu.memory_space<vmem>>, %arg14: memref<512x1xf32, #tpu.memory_space<vmem>>, %arg15: memref<512xf32, #tpu.memory_space<vmem>>, %arg16: memref<!tpu.dma_semaphore, #tpu.memory_space<semaphore_mem>>) attributes {dimension_semantics = [#tpu.dimension_semantics<core_parallel>, #tpu.dimension_semantics<subcore_parallel>], iteration_bounds = array<i64: 2, 16>, scalar_prefetch = 0 : i64, scratch_operands = 8 : i64, tpu.core_type = #tpu.core_type<sc_vector_subcore>, window_params = [{transform_indices = #map}, {transform_indices = #map}, {transform_indices = #map1}, {transform_indices = #map1}, {transform_indices = #map1}, {transform_indices = #map1}, {transform_indices = #map}]} {
    %mul3A = arith.constant 2 : i32
    %mul3A_0 = arith.muli %arg1, %mul3A : i32
    %add3A = arith.addi %mul3A_0, %arg0 : i32
    %mul3A_1 = arith.constant 512 : i32
    %mul3A_2 = arith.muli %add3A, %mul3A_1 : i32
    "tpu.region"() ({
      %run_scoped3A = tpu.sem_alloc : memref<!tpu.dma_semaphore, #tpu.memory_space<semaphore_mem>>
      %dma_start3A_30 = tpu.memref_slice %arg2[%mul3A_2] : memref<16384xi32, #tpu.memory_space<hbm>> -> memref<512xi32, #tpu.memory_space<hbm>>
      %dma_start3A_31 = tpu.memref_slice %arg2[%mul3A_2] : memref<16384xi32, #tpu.memory_space<hbm>> -> memref<512xi32, #tpu.memory_space<hbm>>
      tpu.enqueue_dma source(%dma_start3A_31 : memref<512xi32, #tpu.memory_space<hbm>>) target(%arg9 : memref<512xi32, #tpu.memory_space<vmem>>) target_semaphore(%run_scoped3A : memref<!tpu.dma_semaphore, #tpu.memory_space<semaphore_mem>>)
      %dma_wait3A_32 = tpu.memref_slice %arg2[%mul3A_2] : memref<16384xi32, #tpu.memory_space<hbm>> -> memref<512xi32, #tpu.memory_space<hbm>>
      %dma_wait3A_33 = tpu.memref_slice %arg2[%mul3A_2] : memref<16384xi32, #tpu.memory_space<hbm>> -> memref<512xi32, #tpu.memory_space<hbm>>
      tpu.wait_dma2 semaphore(%run_scoped3A : memref<!tpu.dma_semaphore, #tpu.memory_space<semaphore_mem>>) src(%dma_wait3A_33 : memref<512xi32, #tpu.memory_space<hbm>>) dst(%arg9 : memref<512xi32, #tpu.memory_space<vmem>>)
      tpu.yield
    }) : () -> ()
    "tpu.region"() ({
      %run_scoped3A = tpu.sem_alloc : memref<!tpu.dma_semaphore, #tpu.memory_space<semaphore_mem>>
      %dma_start3A_30 = tpu.memref_slice %arg3[%mul3A_2] : memref<16384xi32, #tpu.memory_space<hbm>> -> memref<512xi32, #tpu.memory_space<hbm>>
      %dma_start3A_31 = tpu.memref_slice %arg3[%mul3A_2] : memref<16384xi32, #tpu.memory_space<hbm>> -> memref<512xi32, #tpu.memory_space<hbm>>
      tpu.enqueue_dma source(%dma_start3A_31 : memref<512xi32, #tpu.memory_space<hbm>>) target(%arg10 : memref<512xi32, #tpu.memory_space<vmem>>) target_semaphore(%run_scoped3A : memref<!tpu.dma_semaphore, #tpu.memory_space<semaphore_mem>>)
      %dma_wait3A_32 = tpu.memref_slice %arg3[%mul3A_2] : memref<16384xi32, #tpu.memory_space<hbm>> -> memref<512xi32, #tpu.memory_space<hbm>>
      %dma_wait3A_33 = tpu.memref_slice %arg3[%mul3A_2] : memref<16384xi32, #tpu.memory_space<hbm>> -> memref<512xi32, #tpu.memory_space<hbm>>
      tpu.wait_dma2 semaphore(%run_scoped3A : memref<!tpu.dma_semaphore, #tpu.memory_space<semaphore_mem>>) src(%dma_wait3A_33 : memref<512xi32, #tpu.memory_space<hbm>>) dst(%arg10 : memref<512xi32, #tpu.memory_space<vmem>>)
      tpu.yield
    }) : () -> ()
    %dma_start3A = arith.constant 0 : i32
    %dma_start3A_3 = arith.constant 0 : i32
    %dma_start3A_4 = tpu.memref_slice %arg4[%dma_start3A, %dma_start3A_3] : memref<1000000x32xf32, #tpu.memory_space<hbm>> -> memref<1000000x32xf32, #tpu.memory_space<hbm>>
    tpu.enqueue_indirect_dma source(%dma_start3A_4 : memref<1000000x32xf32, #tpu.memory_space<hbm>>) target(%arg11 : memref<512x32xf32, #tpu.memory_space<vmem>>) offsets(%arg9 : memref<512xi32, #tpu.memory_space<vmem>>) semaphore(%arg16 : memref<!tpu.dma_semaphore, #tpu.memory_space<semaphore_mem>>)
    %dma_start3A_5 = arith.constant 0 : i32
    %dma_start3A_6 = arith.constant 0 : i32
    %dma_start3A_7 = tpu.memref_slice %arg5[%dma_start3A_5, %dma_start3A_6] : memref<1000000x32xf32, #tpu.memory_space<hbm>> -> memref<1000000x32xf32, #tpu.memory_space<hbm>>
    tpu.enqueue_indirect_dma source(%dma_start3A_7 : memref<1000000x32xf32, #tpu.memory_space<hbm>>) target(%arg12 : memref<512x32xf32, #tpu.memory_space<vmem>>) offsets(%arg10 : memref<512xi32, #tpu.memory_space<vmem>>) semaphore(%arg16 : memref<!tpu.dma_semaphore, #tpu.memory_space<semaphore_mem>>)
    %dma_start3A_8 = arith.constant 0 : i32
    %dma_start3A_9 = arith.constant 0 : i32
    %dma_start3A_10 = tpu.memref_slice %arg6[%dma_start3A_8, %dma_start3A_9] : memref<1000000x1xf32, #tpu.memory_space<hbm>> -> memref<1000000x1xf32, #tpu.memory_space<hbm>>
    tpu.enqueue_indirect_dma source(%dma_start3A_10 : memref<1000000x1xf32, #tpu.memory_space<hbm>>) target(%arg13 : memref<512x1xf32, #tpu.memory_space<vmem>>) offsets(%arg9 : memref<512xi32, #tpu.memory_space<vmem>>) semaphore(%arg16 : memref<!tpu.dma_semaphore, #tpu.memory_space<semaphore_mem>>)
    %dma_start3A_11 = arith.constant 0 : i32
    %dma_start3A_12 = arith.constant 0 : i32
    %dma_start3A_13 = tpu.memref_slice %arg7[%dma_start3A_11, %dma_start3A_12] : memref<1000000x1xf32, #tpu.memory_space<hbm>> -> memref<1000000x1xf32, #tpu.memory_space<hbm>>
    tpu.enqueue_indirect_dma source(%dma_start3A_13 : memref<1000000x1xf32, #tpu.memory_space<hbm>>) target(%arg14 : memref<512x1xf32, #tpu.memory_space<vmem>>) offsets(%arg10 : memref<512xi32, #tpu.memory_space<vmem>>) semaphore(%arg16 : memref<!tpu.dma_semaphore, #tpu.memory_space<semaphore_mem>>)
    %dma_wait3A = arith.constant 0 : i32
    %dma_wait3A_14 = arith.constant 0 : i32
    %dma_wait3A_15 = tpu.memref_slice %arg4[%dma_wait3A, %dma_wait3A_14] : memref<1000000x32xf32, #tpu.memory_space<hbm>> -> memref<1000000x32xf32, #tpu.memory_space<hbm>>
    tpu.wait_indirect_dma semaphore(%arg16 : memref<!tpu.dma_semaphore, #tpu.memory_space<semaphore_mem>>) src(%dma_wait3A_15 : memref<1000000x32xf32, #tpu.memory_space<hbm>>) dst(%arg11 : memref<512x32xf32, #tpu.memory_space<vmem>>)
    %dma_wait3A_16 = arith.constant 0 : i32
    %dma_wait3A_17 = arith.constant 0 : i32
    %dma_wait3A_18 = tpu.memref_slice %arg5[%dma_wait3A_16, %dma_wait3A_17] : memref<1000000x32xf32, #tpu.memory_space<hbm>> -> memref<1000000x32xf32, #tpu.memory_space<hbm>>
    tpu.wait_indirect_dma semaphore(%arg16 : memref<!tpu.dma_semaphore, #tpu.memory_space<semaphore_mem>>) src(%dma_wait3A_18 : memref<1000000x32xf32, #tpu.memory_space<hbm>>) dst(%arg12 : memref<512x32xf32, #tpu.memory_space<vmem>>)
    %dma_wait3A_19 = arith.constant 0 : i32
    %dma_wait3A_20 = arith.constant 0 : i32
    %dma_wait3A_21 = tpu.memref_slice %arg6[%dma_wait3A_19, %dma_wait3A_20] : memref<1000000x1xf32, #tpu.memory_space<hbm>> -> memref<1000000x1xf32, #tpu.memory_space<hbm>>
    tpu.wait_indirect_dma semaphore(%arg16 : memref<!tpu.dma_semaphore, #tpu.memory_space<semaphore_mem>>) src(%dma_wait3A_21 : memref<1000000x1xf32, #tpu.memory_space<hbm>>) dst(%arg13 : memref<512x1xf32, #tpu.memory_space<vmem>>)
    %dma_wait3A_22 = arith.constant 0 : i32
    %dma_wait3A_23 = arith.constant 0 : i32
    %dma_wait3A_24 = tpu.memref_slice %arg7[%dma_wait3A_22, %dma_wait3A_23] : memref<1000000x1xf32, #tpu.memory_space<hbm>> -> memref<1000000x1xf32, #tpu.memory_space<hbm>>
    tpu.wait_indirect_dma semaphore(%arg16 : memref<!tpu.dma_semaphore, #tpu.memory_space<semaphore_mem>>) src(%dma_wait3A_24 : memref<1000000x1xf32, #tpu.memory_space<hbm>>) dst(%arg14 : memref<512x1xf32, #tpu.memory_space<vmem>>)
    %scan3A = arith.constant 0 : i32
    %scan3A_25 = arith.constant 0 : i32
    %scan3A_26 = arith.constant 32 : i32
    %scan3A_27 = arith.addi %scan3A_25, %scan3A_26 : i32
    %scan3A_28 = arith.constant 1 : i32
    scf.for %scan3A_30 = %scan3A_25 to %scan3A_27 step %scan3A_28  : i32 {
      %mul3A_31 = arith.constant 16 : i32
      %mul3A_32 = arith.muli %scan3A_30, %mul3A_31 : i32
      %iota3A = tpu.iota {dimensions = array<i32: 0>} : vector<16xi32>
      %add3A_33 = vector.broadcast %mul3A_32 : i32 to vector<16xi32>
      %add3A_34 = arith.addi %add3A_33, %iota3A : vector<16xi32>
      %broadcast_in_dim3A = arith.constant 0 : i32
      %broadcast_in_dim3A_35 = vector.broadcast %broadcast_in_dim3A : i32 to vector<16xi32>
      %gather3A = tpu.vector_load_idx %arg13[%add3A_34, %broadcast_in_dim3A_35] : memref<512x1xf32, #tpu.memory_space<vmem>>[vector<16xi32>, vector<16xi32>], vector<16xf32>,
      %gather3A_36 = tpu.vector_load_idx %arg14[%add3A_34, %broadcast_in_dim3A_35] : memref<512x1xf32, #tpu.memory_space<vmem>>[vector<16xi32>, vector<16xi32>], vector<16xf32>,
      %add3A_37 = arith.addf %gather3A, %gather3A_36 : vector<16xf32>
      %broadcast_in_dim3A_38 = arith.constant 0 : i32
      %broadcast_in_dim3A_39 = vector.broadcast %broadcast_in_dim3A_38 : i32 to vector<16xi32>
      %gather3A_40 = tpu.vector_load_idx %arg11[%add3A_34, %broadcast_in_dim3A_39] : memref<512x32xf32, #tpu.memory_space<vmem>>[vector<16xi32>, vector<16xi32>], vector<16xf32>,
      %gather3A_41 = tpu.vector_load_idx %arg12[%add3A_34, %broadcast_in_dim3A_39] : memref<512x32xf32, #tpu.memory_space<vmem>>[vector<16xi32>, vector<16xi32>], vector<16xf32>,
      %mul3A_42 = arith.mulf %gather3A_40, %gather3A_41 : vector<16xf32>
      %add3A_43 = arith.addf %add3A_37, %mul3A_42 : vector<16xf32>
      %broadcast_in_dim3A_44 = arith.constant 1 : i32
      %broadcast_in_dim3A_45 = vector.broadcast %broadcast_in_dim3A_44 : i32 to vector<16xi32>
      %gather3A_46 = tpu.vector_load_idx %arg11[%add3A_34, %broadcast_in_dim3A_45] : memref<512x32xf32, #tpu.memory_space<vmem>>[vector<16xi32>, vector<16xi32>], vector<16xf32>,
      %gather3A_47 = tpu.vector_load_idx %arg12[%add3A_34, %broadcast_in_dim3A_45] : memref<512x32xf32, #tpu.memory_space<vmem>>[vector<16xi32>, vector<16xi32>], vector<16xf32>,
      %mul3A_48 = arith.mulf %gather3A_46, %gather3A_47 : vector<16xf32>
      %add3A_49 = arith.addf %add3A_43, %mul3A_48 : vector<16xf32>
      %broadcast_in_dim3A_50 = arith.constant 2 : i32
      %broadcast_in_dim3A_51 = vector.broadcast %broadcast_in_dim3A_50 : i32 to vector<16xi32>
      %gather3A_52 = tpu.vector_load_idx %arg11[%add3A_34, %broadcast_in_dim3A_51] : memref<512x32xf32, #tpu.memory_space<vmem>>[vector<16xi32>, vector<16xi32>], vector<16xf32>,
      %gather3A_53 = tpu.vector_load_idx %arg12[%add3A_34, %broadcast_in_dim3A_51] : memref<512x32xf32, #tpu.memory_space<vmem>>[vector<16xi32>, vector<16xi32>], vector<16xf32>,
      %mul3A_54 = arith.mulf %gather3A_52, %gather3A_53 : vector<16xf32>
      %add3A_55 = arith.addf %add3A_49, %mul3A_54 : vector<16xf32>
      %broadcast_in_dim3A_56 = arith.constant 3 : i32
      %broadcast_in_dim3A_57 = vector.broadcast %broadcast_in_dim3A_56 : i32 to vector<16xi32>
      %gather3A_58 = tpu.vector_load_idx %arg11[%add3A_34, %broadcast_in_dim3A_57] : memref<512x32xf32, #tpu.memory_space<vmem>>[vector<16xi32>, vector<16xi32>], vector<16xf32>,
      %gather3A_59 = tpu.vector_load_idx %arg12[%add3A_34, %broadcast_in_dim3A_57] : memref<512x32xf32, #tpu.memory_space<vmem>>[vector<16xi32>, vector<16xi32>], vector<16xf32>,
      %mul3A_60 = arith.mulf %gather3A_58, %gather3A_59 : vector<16xf32>
      %add3A_61 = arith.addf %add3A_55, %mul3A_60 : vector<16xf32>
      %broadcast_in_dim3A_62 = arith.constant 4 : i32
      %broadcast_in_dim3A_63 = vector.broadcast %broadcast_in_dim3A_62 : i32 to vector<16xi32>
      %gather3A_64 = tpu.vector_load_idx %arg11[%add3A_34, %broadcast_in_dim3A_63] : memref<512x32xf32, #tpu.memory_space<vmem>>[vector<16xi32>, vector<16xi32>], vector<16xf32>,
      %gather3A_65 = tpu.vector_load_idx %arg12[%add3A_34, %broadcast_in_dim3A_63] : memref<512x32xf32, #tpu.memory_space<vmem>>[vector<16xi32>, vector<16xi32>], vector<16xf32>,
      %mul3A_66 = arith.mulf %gather3A_64, %gather3A_65 : vector<16xf32>
      %add3A_67 = arith.addf %add3A_61, %mul3A_66 : vector<16xf32>
      %broadcast_in_dim3A_68 = arith.constant 5 : i32
      %broadcast_in_dim3A_69 = vector.broadcast %broadcast_in_dim3A_68 : i32 to vector<16xi32>
      %gather3A_70 = tpu.vector_load_idx %arg11[%add3A_34, %broadcast_in_dim3A_69] : memref<512x32xf32, #tpu.memory_space<vmem>>[vector<16xi32>, vector<16xi32>], vector<16xf32>,
      %gather3A_71 = tpu.vector_load_idx %arg12[%add3A_34, %broadcast_in_dim3A_69] : memref<512x32xf32, #tpu.memory_space<vmem>>[vector<16xi32>, vector<16xi32>], vector<16xf32>,
      %mul3A_72 = arith.mulf %gather3A_70, %gather3A_71 : vector<16xf32>
      %add3A_73 = arith.addf %add3A_67, %mul3A_72 : vector<16xf32>
      %broadcast_in_dim3A_74 = arith.constant 6 : i32
      %broadcast_in_dim3A_75 = vector.broadcast %broadcast_in_dim3A_74 : i32 to vector<16xi32>
      %gather3A_76 = tpu.vector_load_idx %arg11[%add3A_34, %broadcast_in_dim3A_75] : memref<512x32xf32, #tpu.memory_space<vmem>>[vector<16xi32>, vector<16xi32>], vector<16xf32>,
      %gather3A_77 = tpu.vector_load_idx %arg12[%add3A_34, %broadcast_in_dim3A_75] : memref<512x32xf32, #tpu.memory_space<vmem>>[vector<16xi32>, vector<16xi32>], vector<16xf32>,
      %mul3A_78 = arith.mulf %gather3A_76, %gather3A_77 : vector<16xf32>
      %add3A_79 = arith.addf %add3A_73, %mul3A_78 : vector<16xf32>
      %broadcast_in_dim3A_80 = arith.constant 7 : i32
      %broadcast_in_dim3A_81 = vector.broadcast %broadcast_in_dim3A_80 : i32 to vector<16xi32>
      %gather3A_82 = tpu.vector_load_idx %arg11[%add3A_34, %broadcast_in_dim3A_81] : memref<512x32xf32, #tpu.memory_space<vmem>>[vector<16xi32>, vector<16xi32>], vector<16xf32>,
      %gather3A_83 = tpu.vector_load_idx %arg12[%add3A_34, %broadcast_in_dim3A_81] : memref<512x32xf32, #tpu.memory_space<vmem>>[vector<16xi32>, vector<16xi32>], vector<16xf32>,
      %mul3A_84 = arith.mulf %gather3A_82, %gather3A_83 : vector<16xf32>
      %add3A_85 = arith.addf %add3A_79, %mul3A_84 : vector<16xf32>
      %broadcast_in_dim3A_86 = arith.constant 8 : i32
      %broadcast_in_dim3A_87 = vector.broadcast %broadcast_in_dim3A_86 : i32 to vector<16xi32>
      %gather3A_88 = tpu.vector_load_idx %arg11[%add3A_34, %broadcast_in_dim3A_87] : memref<512x32xf32, #tpu.memory_space<vmem>>[vector<16xi32>, vector<16xi32>], vector<16xf32>,
      %gather3A_89 = tpu.vector_load_idx %arg12[%add3A_34, %broadcast_in_dim3A_87] : memref<512x32xf32, #tpu.memory_space<vmem>>[vector<16xi32>, vector<16xi32>], vector<16xf32>,
      %mul3A_90 = arith.mulf %gather3A_88, %gather3A_89 : vector<16xf32>
      %add3A_91 = arith.addf %add3A_85, %mul3A_90 : vector<16xf32>
      %broadcast_in_dim3A_92 = arith.constant 9 : i32
      %broadcast_in_dim3A_93 = vector.broadcast %broadcast_in_dim3A_92 : i32 to vector<16xi32>
      %gather3A_94 = tpu.vector_load_idx %arg11[%add3A_34, %broadcast_in_dim3A_93] : memref<512x32xf32, #tpu.memory_space<vmem>>[vector<16xi32>, vector<16xi32>], vector<16xf32>,
      %gather3A_95 = tpu.vector_load_idx %arg12[%add3A_34, %broadcast_in_dim3A_93] : memref<512x32xf32, #tpu.memory_space<vmem>>[vector<16xi32>, vector<16xi32>], vector<16xf32>,
      %mul3A_96 = arith.mulf %gather3A_94, %gather3A_95 : vector<16xf32>
      %add3A_97 = arith.addf %add3A_91, %mul3A_96 : vector<16xf32>
      %broadcast_in_dim3A_98 = arith.constant 10 : i32
      %broadcast_in_dim3A_99 = vector.broadcast %broadcast_in_dim3A_98 : i32 to vector<16xi32>
      %gather3A_100 = tpu.vector_load_idx %arg11[%add3A_34, %broadcast_in_dim3A_99] : memref<512x32xf32, #tpu.memory_space<vmem>>[vector<16xi32>, vector<16xi32>], vector<16xf32>,
      %gather3A_101 = tpu.vector_load_idx %arg12[%add3A_34, %broadcast_in_dim3A_99] : memref<512x32xf32, #tpu.memory_space<vmem>>[vector<16xi32>, vector<16xi32>], vector<16xf32>,
      %mul3A_102 = arith.mulf %gather3A_100, %gather3A_101 : vector<16xf32>
      %add3A_103 = arith.addf %add3A_97, %mul3A_102 : vector<16xf32>
      %broadcast_in_dim3A_104 = arith.constant 11 : i32
      %broadcast_in_dim3A_105 = vector.broadcast %broadcast_in_dim3A_104 : i32 to vector<16xi32>
      %gather3A_106 = tpu.vector_load_idx %arg11[%add3A_34, %broadcast_in_dim3A_105] : memref<512x32xf32, #tpu.memory_space<vmem>>[vector<16xi32>, vector<16xi32>], vector<16xf32>,
      %gather3A_107 = tpu.vector_load_idx %arg12[%add3A_34, %broadcast_in_dim3A_105] : memref<512x32xf32, #tpu.memory_space<vmem>>[vector<16xi32>, vector<16xi32>], vector<16xf32>,
      %mul3A_108 = arith.mulf %gather3A_106, %gather3A_107 : vector<16xf32>
      %add3A_109 = arith.addf %add3A_103, %mul3A_108 : vector<16xf32>
      %broadcast_in_dim3A_110 = arith.constant 12 : i32
      %broadcast_in_dim3A_111 = vector.broadcast %broadcast_in_dim3A_110 : i32 to vector<16xi32>
      %gather3A_112 = tpu.vector_load_idx %arg11[%add3A_34, %broadcast_in_dim3A_111] : memref<512x32xf32, #tpu.memory_space<vmem>>[vector<16xi32>, vector<16xi32>], vector<16xf32>,
      %gather3A_113 = tpu.vector_load_idx %arg12[%add3A_34, %broadcast_in_dim3A_111] : memref<512x32xf32, #tpu.memory_space<vmem>>[vector<16xi32>, vector<16xi32>], vector<16xf32>,
      %mul3A_114 = arith.mulf %gather3A_112, %gather3A_113 : vector<16xf32>
      %add3A_115 = arith.addf %add3A_109, %mul3A_114 : vector<16xf32>
      %broadcast_in_dim3A_116 = arith.constant 13 : i32
      %broadcast_in_dim3A_117 = vector.broadcast %broadcast_in_dim3A_116 : i32 to vector<16xi32>
      %gather3A_118 = tpu.vector_load_idx %arg11[%add3A_34, %broadcast_in_dim3A_117] : memref<512x32xf32, #tpu.memory_space<vmem>>[vector<16xi32>, vector<16xi32>], vector<16xf32>,
      %gather3A_119 = tpu.vector_load_idx %arg12[%add3A_34, %broadcast_in_dim3A_117] : memref<512x32xf32, #tpu.memory_space<vmem>>[vector<16xi32>, vector<16xi32>], vector<16xf32>,
      %mul3A_120 = arith.mulf %gather3A_118, %gather3A_119 : vector<16xf32>
      %add3A_121 = arith.addf %add3A_115, %mul3A_120 : vector<16xf32>
      %broadcast_in_dim3A_122 = arith.constant 14 : i32
      %broadcast_in_dim3A_123 = vector.broadcast %broadcast_in_dim3A_122 : i32 to vector<16xi32>
      %gather3A_124 = tpu.vector_load_idx %arg11[%add3A_34, %broadcast_in_dim3A_123] : memref<512x32xf32, #tpu.memory_space<vmem>>[vector<16xi32>, vector<16xi32>], vector<16xf32>,
      %gather3A_125 = tpu.vector_load_idx %arg12[%add3A_34, %broadcast_in_dim3A_123] : memref<512x32xf32, #tpu.memory_space<vmem>>[vector<16xi32>, vector<16xi32>], vector<16xf32>,
      %mul3A_126 = arith.mulf %gather3A_124, %gather3A_125 : vector<16xf32>
      %add3A_127 = arith.addf %add3A_121, %mul3A_126 : vector<16xf32>
      %broadcast_in_dim3A_128 = arith.constant 15 : i32
      %broadcast_in_dim3A_129 = vector.broadcast %broadcast_in_dim3A_128 : i32 to vector<16xi32>
      %gather3A_130 = tpu.vector_load_idx %arg11[%add3A_34, %broadcast_in_dim3A_129] : memref<512x32xf32, #tpu.memory_space<vmem>>[vector<16xi32>, vector<16xi32>], vector<16xf32>,
      %gather3A_131 = tpu.vector_load_idx %arg12[%add3A_34, %broadcast_in_dim3A_129] : memref<512x32xf32, #tpu.memory_space<vmem>>[vector<16xi32>, vector<16xi32>], vector<16xf32>,
      %mul3A_132 = arith.mulf %gather3A_130, %gather3A_131 : vector<16xf32>
      %add3A_133 = arith.addf %add3A_127, %mul3A_132 : vector<16xf32>
      %broadcast_in_dim3A_134 = arith.constant 16 : i32
      %broadcast_in_dim3A_135 = vector.broadcast %broadcast_in_dim3A_134 : i32 to vector<16xi32>
      %gather3A_136 = tpu.vector_load_idx %arg11[%add3A_34, %broadcast_in_dim3A_135] : memref<512x32xf32, #tpu.memory_space<vmem>>[vector<16xi32>, vector<16xi32>], vector<16xf32>,
      %gather3A_137 = tpu.vector_load_idx %arg12[%add3A_34, %broadcast_in_dim3A_135] : memref<512x32xf32, #tpu.memory_space<vmem>>[vector<16xi32>, vector<16xi32>], vector<16xf32>,
      %mul3A_138 = arith.mulf %gather3A_136, %gather3A_137 : vector<16xf32>
      %add3A_139 = arith.addf %add3A_133, %mul3A_138 : vector<16xf32>
      %broadcast_in_dim3A_140 = arith.constant 17 : i32
      %broadcast_in_dim3A_141 = vector.broadcast %broadcast_in_dim3A_140 : i32 to vector<16xi32>
      %gather3A_142 = tpu.vector_load_idx %arg11[%add3A_34, %broadcast_in_dim3A_141] : memref<512x32xf32, #tpu.memory_space<vmem>>[vector<16xi32>, vector<16xi32>], vector<16xf32>,
      %gather3A_143 = tpu.vector_load_idx %arg12[%add3A_34, %broadcast_in_dim3A_141] : memref<512x32xf32, #tpu.memory_space<vmem>>[vector<16xi32>, vector<16xi32>], vector<16xf32>,
      %mul3A_144 = arith.mulf %gather3A_142, %gather3A_143 : vector<16xf32>
      %add3A_145 = arith.addf %add3A_139, %mul3A_144 : vector<16xf32>
      %broadcast_in_dim3A_146 = arith.constant 18 : i32
      %broadcast_in_dim3A_147 = vector.broadcast %broadcast_in_dim3A_146 : i32 to vector<16xi32>
      %gather3A_148 = tpu.vector_load_idx %arg11[%add3A_34, %broadcast_in_dim3A_147] : memref<512x32xf32, #tpu.memory_space<vmem>>[vector<16xi32>, vector<16xi32>], vector<16xf32>,
      %gather3A_149 = tpu.vector_load_idx %arg12[%add3A_34, %broadcast_in_dim3A_147] : memref<512x32xf32, #tpu.memory_space<vmem>>[vector<16xi32>, vector<16xi32>], vector<16xf32>,
      %mul3A_150 = arith.mulf %gather3A_148, %gather3A_149 : vector<16xf32>
      %add3A_151 = arith.addf %add3A_145, %mul3A_150 : vector<16xf32>
      %broadcast_in_dim3A_152 = arith.constant 19 : i32
      %broadcast_in_dim3A_153 = vector.broadcast %broadcast_in_dim3A_152 : i32 to vector<16xi32>
      %gather3A_154 = tpu.vector_load_idx %arg11[%add3A_34, %broadcast_in_dim3A_153] : memref<512x32xf32, #tpu.memory_space<vmem>>[vector<16xi32>, vector<16xi32>], vector<16xf32>,
      %gather3A_155 = tpu.vector_load_idx %arg12[%add3A_34, %broadcast_in_dim3A_153] : memref<512x32xf32, #tpu.memory_space<vmem>>[vector<16xi32>, vector<16xi32>], vector<16xf32>,
      %mul3A_156 = arith.mulf %gather3A_154, %gather3A_155 : vector<16xf32>
      %add3A_157 = arith.addf %add3A_151, %mul3A_156 : vector<16xf32>
      %broadcast_in_dim3A_158 = arith.constant 20 : i32
      %broadcast_in_dim3A_159 = vector.broadcast %broadcast_in_dim3A_158 : i32 to vector<16xi32>
      %gather3A_160 = tpu.vector_load_idx %arg11[%add3A_34, %broadcast_in_dim3A_159] : memref<512x32xf32, #tpu.memory_space<vmem>>[vector<16xi32>, vector<16xi32>], vector<16xf32>,
      %gather3A_161 = tpu.vector_load_idx %arg12[%add3A_34, %broadcast_in_dim3A_159] : memref<512x32xf32, #tpu.memory_space<vmem>>[vector<16xi32>, vector<16xi32>], vector<16xf32>,
      %mul3A_162 = arith.mulf %gather3A_160, %gather3A_161 : vector<16xf32>
      %add3A_163 = arith.addf %add3A_157, %mul3A_162 : vector<16xf32>
      %broadcast_in_dim3A_164 = arith.constant 21 : i32
      %broadcast_in_dim3A_165 = vector.broadcast %broadcast_in_dim3A_164 : i32 to vector<16xi32>
      %gather3A_166 = tpu.vector_load_idx %arg11[%add3A_34, %broadcast_in_dim3A_165] : memref<512x32xf32, #tpu.memory_space<vmem>>[vector<16xi32>, vector<16xi32>], vector<16xf32>,
      %gather3A_167 = tpu.vector_load_idx %arg12[%add3A_34, %broadcast_in_dim3A_165] : memref<512x32xf32, #tpu.memory_space<vmem>>[vector<16xi32>, vector<16xi32>], vector<16xf32>,
      %mul3A_168 = arith.mulf %gather3A_166, %gather3A_167 : vector<16xf32>
      %add3A_169 = arith.addf %add3A_163, %mul3A_168 : vector<16xf32>
      %broadcast_in_dim3A_170 = arith.constant 22 : i32
      %broadcast_in_dim3A_171 = vector.broadcast %broadcast_in_dim3A_170 : i32 to vector<16xi32>
      %gather3A_172 = tpu.vector_load_idx %arg11[%add3A_34, %broadcast_in_dim3A_171] : memref<512x32xf32, #tpu.memory_space<vmem>>[vector<16xi32>, vector<16xi32>], vector<16xf32>,
      %gather3A_173 = tpu.vector_load_idx %arg12[%add3A_34, %broadcast_in_dim3A_171] : memref<512x32xf32, #tpu.memory_space<vmem>>[vector<16xi32>, vector<16xi32>], vector<16xf32>,
      %mul3A_174 = arith.mulf %gather3A_172, %gather3A_173 : vector<16xf32>
      %add3A_175 = arith.addf %add3A_169, %mul3A_174 : vector<16xf32>
      %broadcast_in_dim3A_176 = arith.constant 23 : i32
      %broadcast_in_dim3A_177 = vector.broadcast %broadcast_in_dim3A_176 : i32 to vector<16xi32>
      %gather3A_178 = tpu.vector_load_idx %arg11[%add3A_34, %broadcast_in_dim3A_177] : memref<512x32xf32, #tpu.memory_space<vmem>>[vector<16xi32>, vector<16xi32>], vector<16xf32>,
      %gather3A_179 = tpu.vector_load_idx %arg12[%add3A_34, %broadcast_in_dim3A_177] : memref<512x32xf32, #tpu.memory_space<vmem>>[vector<16xi32>, vector<16xi32>], vector<16xf32>,
      %mul3A_180 = arith.mulf %gather3A_178, %gather3A_179 : vector<16xf32>
      %add3A_181 = arith.addf %add3A_175, %mul3A_180 : vector<16xf32>
      %broadcast_in_dim3A_182 = arith.constant 24 : i32
      %broadcast_in_dim3A_183 = vector.broadcast %broadcast_in_dim3A_182 : i32 to vector<16xi32>
      %gather3A_184 = tpu.vector_load_idx %arg11[%add3A_34, %broadcast_in_dim3A_183] : memref<512x32xf32, #tpu.memory_space<vmem>>[vector<16xi32>, vector<16xi32>], vector<16xf32>,
      %gather3A_185 = tpu.vector_load_idx %arg12[%add3A_34, %broadcast_in_dim3A_183] : memref<512x32xf32, #tpu.memory_space<vmem>>[vector<16xi32>, vector<16xi32>], vector<16xf32>,
      %mul3A_186 = arith.mulf %gather3A_184, %gather3A_185 : vector<16xf32>
      %add3A_187 = arith.addf %add3A_181, %mul3A_186 : vector<16xf32>
      %broadcast_in_dim3A_188 = arith.constant 25 : i32
      %broadcast_in_dim3A_189 = vector.broadcast %broadcast_in_dim3A_188 : i32 to vector<16xi32>
      %gather3A_190 = tpu.vector_load_idx %arg11[%add3A_34, %broadcast_in_dim3A_189] : memref<512x32xf32, #tpu.memory_space<vmem>>[vector<16xi32>, vector<16xi32>], vector<16xf32>,
      %gather3A_191 = tpu.vector_load_idx %arg12[%add3A_34, %broadcast_in_dim3A_189] : memref<512x32xf32, #tpu.memory_space<vmem>>[vector<16xi32>, vector<16xi32>], vector<16xf32>,
      %mul3A_192 = arith.mulf %gather3A_190, %gather3A_191 : vector<16xf32>
      %add3A_193 = arith.addf %add3A_187, %mul3A_192 : vector<16xf32>
      %broadcast_in_dim3A_194 = arith.constant 26 : i32
      %broadcast_in_dim3A_195 = vector.broadcast %broadcast_in_dim3A_194 : i32 to vector<16xi32>
      %gather3A_196 = tpu.vector_load_idx %arg11[%add3A_34, %broadcast_in_dim3A_195] : memref<512x32xf32, #tpu.memory_space<vmem>>[vector<16xi32>, vector<16xi32>], vector<16xf32>,
      %gather3A_197 = tpu.vector_load_idx %arg12[%add3A_34, %broadcast_in_dim3A_195] : memref<512x32xf32, #tpu.memory_space<vmem>>[vector<16xi32>, vector<16xi32>], vector<16xf32>,
      %mul3A_198 = arith.mulf %gather3A_196, %gather3A_197 : vector<16xf32>
      %add3A_199 = arith.addf %add3A_193, %mul3A_198 : vector<16xf32>
      %broadcast_in_dim3A_200 = arith.constant 27 : i32
      %broadcast_in_dim3A_201 = vector.broadcast %broadcast_in_dim3A_200 : i32 to vector<16xi32>
      %gather3A_202 = tpu.vector_load_idx %arg11[%add3A_34, %broadcast_in_dim3A_201] : memref<512x32xf32, #tpu.memory_space<vmem>>[vector<16xi32>, vector<16xi32>], vector<16xf32>,
      %gather3A_203 = tpu.vector_load_idx %arg12[%add3A_34, %broadcast_in_dim3A_201] : memref<512x32xf32, #tpu.memory_space<vmem>>[vector<16xi32>, vector<16xi32>], vector<16xf32>,
      %mul3A_204 = arith.mulf %gather3A_202, %gather3A_203 : vector<16xf32>
      %add3A_205 = arith.addf %add3A_199, %mul3A_204 : vector<16xf32>
      %broadcast_in_dim3A_206 = arith.constant 28 : i32
      %broadcast_in_dim3A_207 = vector.broadcast %broadcast_in_dim3A_206 : i32 to vector<16xi32>
      %gather3A_208 = tpu.vector_load_idx %arg11[%add3A_34, %broadcast_in_dim3A_207] : memref<512x32xf32, #tpu.memory_space<vmem>>[vector<16xi32>, vector<16xi32>], vector<16xf32>,
      %gather3A_209 = tpu.vector_load_idx %arg12[%add3A_34, %broadcast_in_dim3A_207] : memref<512x32xf32, #tpu.memory_space<vmem>>[vector<16xi32>, vector<16xi32>], vector<16xf32>,
      %mul3A_210 = arith.mulf %gather3A_208, %gather3A_209 : vector<16xf32>
      %add3A_211 = arith.addf %add3A_205, %mul3A_210 : vector<16xf32>
      %broadcast_in_dim3A_212 = arith.constant 29 : i32
      %broadcast_in_dim3A_213 = vector.broadcast %broadcast_in_dim3A_212 : i32 to vector<16xi32>
      %gather3A_214 = tpu.vector_load_idx %arg11[%add3A_34, %broadcast_in_dim3A_213] : memref<512x32xf32, #tpu.memory_space<vmem>>[vector<16xi32>, vector<16xi32>], vector<16xf32>,
      %gather3A_215 = tpu.vector_load_idx %arg12[%add3A_34, %broadcast_in_dim3A_213] : memref<512x32xf32, #tpu.memory_space<vmem>>[vector<16xi32>, vector<16xi32>], vector<16xf32>,
      %mul3A_216 = arith.mulf %gather3A_214, %gather3A_215 : vector<16xf32>
      %add3A_217 = arith.addf %add3A_211, %mul3A_216 : vector<16xf32>
      %broadcast_in_dim3A_218 = arith.constant 30 : i32
      %broadcast_in_dim3A_219 = vector.broadcast %broadcast_in_dim3A_218 : i32 to vector<16xi32>
      %gather3A_220 = tpu.vector_load_idx %arg11[%add3A_34, %broadcast_in_dim3A_219] : memref<512x32xf32, #tpu.memory_space<vmem>>[vector<16xi32>, vector<16xi32>], vector<16xf32>,
      %gather3A_221 = tpu.vector_load_idx %arg12[%add3A_34, %broadcast_in_dim3A_219] : memref<512x32xf32, #tpu.memory_space<vmem>>[vector<16xi32>, vector<16xi32>], vector<16xf32>,
      %mul3A_222 = arith.mulf %gather3A_220, %gather3A_221 : vector<16xf32>
      %add3A_223 = arith.addf %add3A_217, %mul3A_222 : vector<16xf32>
      %broadcast_in_dim3A_224 = arith.constant 31 : i32
      %broadcast_in_dim3A_225 = vector.broadcast %broadcast_in_dim3A_224 : i32 to vector<16xi32>
      %gather3A_226 = tpu.vector_load_idx %arg11[%add3A_34, %broadcast_in_dim3A_225] : memref<512x32xf32, #tpu.memory_space<vmem>>[vector<16xi32>, vector<16xi32>], vector<16xf32>,
      %gather3A_227 = tpu.vector_load_idx %arg12[%add3A_34, %broadcast_in_dim3A_225] : memref<512x32xf32, #tpu.memory_space<vmem>>[vector<16xi32>, vector<16xi32>], vector<16xf32>,
      %mul3A_228 = arith.mulf %gather3A_226, %gather3A_227 : vector<16xf32>
      %add3A_229 = arith.addf %add3A_223, %mul3A_228 : vector<16xf32>
      %swap3A = arith.index_cast %mul3A_32 : i32 to index
      %swap3A_230 = tpu.vector_load %arg15[%swap3A] {strides = array<i32>} : memref<512xf32, #tpu.memory_space<vmem>>, vector<16xf32>,
      tpu.vector_store %arg15[%swap3A], %add3A_229 {strides = array<i32>} : memref<512xf32, #tpu.memory_space<vmem>>, vector<16xf32>,
    }
    %scan3A_29 = arith.constant 32 : i32
    "tpu.region"() ({
      %run_scoped3A = tpu.sem_alloc : memref<!tpu.dma_semaphore, #tpu.memory_space<semaphore_mem>>
      %dma_start3A_30 = tpu.memref_slice %arg8[%mul3A_2] : memref<16384xf32, #tpu.memory_space<hbm>> -> memref<512xf32, #tpu.memory_space<hbm>>
      %dma_start3A_31 = tpu.memref_slice %arg8[%mul3A_2] : memref<16384xf32, #tpu.memory_space<hbm>> -> memref<512xf32, #tpu.memory_space<hbm>>
      tpu.enqueue_dma source(%arg15 : memref<512xf32, #tpu.memory_space<vmem>>) target(%dma_start3A_31 : memref<512xf32, #tpu.memory_space<hbm>>) target_semaphore(%run_scoped3A : memref<!tpu.dma_semaphore, #tpu.memory_space<semaphore_mem>>)
      %dma_wait3A_32 = tpu.memref_slice %arg8[%mul3A_2] : memref<16384xf32, #tpu.memory_space<hbm>> -> memref<512xf32, #tpu.memory_space<hbm>>
      %dma_wait3A_33 = tpu.memref_slice %arg8[%mul3A_2] : memref<16384xf32, #tpu.memory_space<hbm>> -> memref<512xf32, #tpu.memory_space<hbm>>
      tpu.wait_dma2 semaphore(%run_scoped3A : memref<!tpu.dma_semaphore, #tpu.memory_space<semaphore_mem>>) src(%arg15 : memref<512xf32, #tpu.memory_space<vmem>>) dst(%dma_wait3A_33 : memref<512xf32, #tpu.memory_space<hbm>>)
      tpu.yield
    }) : () -> ()
    return
  }
}

</mosaic_0001>

<sc_bundles>
// kernel: kernel.3.cloned.1.call-start
scs
__scs_entry_jumppad:
0x0: {  	(pc) =	sbr.rel $0x88, $3  }
0x1: {  	(tag) =	ssettag $0x0;
	lr =	simm.s32 $0x1  }
0x2: {  	[smem:$0x3F9B] =	sst lr;
	_ =	strace $0xD0000000  }
0x3: {  	_ = 	snop  }
0x4: {  	_ = 	snop  }
0x5: {  	_ = 	snop  }
0x6: {  	_ = 	snop  }
0x7: {  	_ = 	snop  }
__scs_overlays_trampoline_lowered:
0x8: {  	[smem:$0x3FAA] =	sst s0  }
0x9: {  	[smem:$0x3FAB] =	sst s1  }
0xa: {  	[smem:$0x3FAC] =	sst s2  }
0xb: {  	[smem:$0x3FAD] =	sst s3  }
0xc: {  	[smem:$0x3FAE] =	sst s4  }
0xd: {  	[smem:$0x3FAF] =	sst s5  }
0xe: {  	[smem:$0x3FB0] =	sst s6  }
0xf: {  	[smem:$0x3FB1] =	sst s7  }
0x10: {  	[smem:$0x3FB2] =	sst s8  }
0x11: {  	[smem:$0x3FB3] =	sst s9;
	s0 =	simm.s32 @!p0 $0x0  }
0x12: {  	s1 =	sld [smem:$0x3F99];
	s0 =	simm.s32 @p0 $0x1  }
0x13: {  	[smem:$0x3FB4] =	sst s0;
	s0 =	simm.s32 @!p1 $0x0  }
0x14: {  	s2 =	sld [smem:$0x3F98];
	s0 =	simm.s32 @p1 $0x1  }
0x15: {  	[smem:$0x3FB5] =	sst s0;
	s0 =	simm.s32 @!p2 $0x0  }
0x16: {  	s3 =	sld [smem:$0x3FDB];
	s0 =	simm.s32 @p2 $0x1  }
0x17: {  	s4 =	simm.s32 $0x1BF5;
	[smem:$0x3FB7] =	sst s0  }
0x18: {  	s0 =	sld [smem:$0x3F9A];
	_ =	swait.ge [sflag:s4], $0x0  }
0x19: {  	s7 =	sld [smem:$0x3F9B]  }
0x1a: {  	s8 =	sadd.s32 $0xFFFFE003, lr  }
0x1b: {  	s9 =	sadd.s32 $0xFFFFFEF7, lr;
	s5 =	simm.s32 $0xFFFFFFFF;
	p2 =	slt.u32 s8, $0xFFFFF086  }
0x1c: {  	p1 =	slt.u32 s9, $0xF7A;
	s5 =	simm.s32 @!p2 $0x0  }
0x1d: {  	s5 =	simm.s32 @p1 $0x1;
	p0 =	seq.s32 s7, s2  }
0x1e: {  	s7 =	smul.u32 @!p0 $0xF7A, s2;
	p2 =	seq.s32 @!p0 s5, $0x0  }
0x1f: {  	s9 =	smul.u32 $0xF7A, s1;
	s8 =	simm.s32 @!p0 $0x1BF5;
	p2 =	por !p2, p0  }
0x20: {  	[sflag:s8] =	ssyncset.s32 @!p0 $0xFFFFF086;
	s6 =	sadd.s32 @!p0 s3, s7;
	s7 =	simm.s32 @!p0 $0x108  }
0x21: {  	s3 =	sadd.s32 s3, s9;
	s6 =	sadd.s32 @!p0 $0x88, s6;
	s7 =	simm.s32 @p2 $0x1082  }
0x22: {  	[simem:s7], [sflag:s8] =	dma.local @!p0 [hbm:s6], $0xF7A  }
0x23: {  	s9 =	sor.u32 $0xD0000000, s2;
	s6 =	simm.s32 $0x108;
	_ =	swait.ge @!p0 [sflag:s8], $0x0  }
0x24: {  	s3 =	sadd.s32 $0x88, s3;
	s6 =	simm.s32 @!p1 $0x1082;
	[sflag:s4] =	ssyncset.s32 $0xFFFFF086  }
0x25: {  	[simem:s6], [sflag:s4] =	dma.local [hbm:s3], $0xF7A  }
0x26: {  	[smem:$0x3F9B] =	sst s1;
	(tag) =	ssettag s2;
	_ =	strace s9  }
0x27: {  	s1 =	sld [smem:$0x3FAB]  }
0x28: {  	s2 =	sld [smem:$0x3FAC]  }
0x29: {  	s4 =	sld [smem:$0x3FAE]  }
0x2a: {  	p0 =	seq.s32 s5, $0x0;
	s5 =	sld [smem:$0x3FAF]  }
0x2b: {  	s6 =	sld [smem:$0x3FB0]  }
0x2c: {  	s7 =	sld [smem:$0x3FB1]  }
0x2d: {  	s3 =	simm.s32 $0x108;
	s8 =	sld [smem:$0x3FB2]  }
0x2e: {  	s3 =	simm.s32 @!p0 $0x1082;
	s9 =	sld [smem:$0x3FB3]  }
0x2f: {  	lr =	sadd.s32 s0, s3;
	s0 =	sld [smem:$0x3FAA]  }
0x30: {  	s3 =	sld [smem:$0x3FAD]  }
0x31: {  	[smem:$0x3FB6] =	sst s10  }
0x32: {  	s10 =	sld [smem:$0x3FB4];
	_ =	sdelay $0x3  }
0x33: {  	p0 =	seq.s32 s10, $0x1;
	s10 =	sld [smem:$0x3FB6];
	_ =	sdelay $0x3  }
0x34: {  	[smem:$0x3FB6] =	sst s10  }
0x35: {  	s10 =	sld [smem:$0x3FB5];
	_ =	sdelay $0x3  }
0x36: {  	p1 =	seq.s32 s10, $0x1;
	s10 =	sld [smem:$0x3FB6];
	_ =	sdelay $0x3  }
0x37: {  	[smem:$0x3FB6] =	sst s10  }
0x38: {  	s10 =	sld [smem:$0x3FB7]  }
0x39: {  	_ = 	snop;
	(pc) =	sbr.ind lr, $3  }
0x3a: {  	_ = 	snop  }
0x3b: {  	_ = 	snop  }
0x3c: {  	p2 =	seq.s32 s10, $0x1;
	s10 =	sld [smem:$0x3FB6]  }
0x3d: {  	_ =	shalt  }
0x3e: {  	_ =	shalt  }
0x3f: {  	_ =	shalt  }
0x40: {  	_ =	shalt  }
0x41: {  	_ =	shalt  }
0x42: {  	_ =	shalt  }
0x43: {  	_ =	shalt  }
0x44: {  	_ =	shalt  }
0x45: {  	_ =	shalt  }
0x46: {  	_ =	shalt  }
0x47: {  	_ =	shalt  }
0x48: {  	_ =	shalt  }
0x49: {  	_ =	shalt  }
0x4a: {  	_ =	shalt  }
0x4b: {  	_ =	shalt  }
0x4c: {  	_ =	shalt  }
0x4d: {  	_ =	shalt  }
0x4e: {  	_ =	shalt  }
0x4f: {  	_ =	shalt  }
0x50: {  	_ =	shalt  }
0x51: {  	_ =	shalt  }
0x52: {  	_ =	shalt  }
0x53: {  	_ =	shalt  }
0x54: {  	_ =	shalt  }
0x55: {  	_ =	shalt  }
0x56: {  	_ =	shalt  }
0x57: {  	_ =	shalt  }
0x58: {  	_ =	shalt  }
0x59: {  	_ =	shalt  }
0x5a: {  	_ =	shalt  }
0x5b: {  	_ =	shalt  }
0x5c: {  	_ =	shalt  }
0x5d: {  	_ =	shalt  }
0x5e: {  	_ =	shalt  }
0x5f: {  	_ =	shalt  }
0x60: {  	_ =	shalt  }
0x61: {  	_ =	shalt  }
0x62: {  	_ =	shalt  }
0x63: {  	_ =	shalt  }
0x64: {  	_ =	shalt  }
0x65: {  	_ =	shalt  }
0x66: {  	_ =	shalt  }
0x67: {  	_ =	shalt  }
0x68: {  	_ =	shalt  }
0x69: {  	_ =	shalt  }
0x6a: {  	_ =	shalt  }
0x6b: {  	_ =	shalt  }
0x6c: {  	_ =	shalt  }
0x6d: {  	_ =	shalt  }
0x6e: {  	_ =	shalt  }
0x6f: {  	_ =	shalt  }
0x70: {  	_ =	shalt  }
0x71: {  	_ =	shalt  }
0x72: {  	_ =	shalt  }
0x73: {  	_ =	shalt  }
0x74: {  	_ =	shalt  }
0x75: {  	_ =	shalt  }
0x76: {  	_ =	shalt  }
0x77: {  	_ =	shalt  }
0x78: {  	_ =	shalt  }
0x79: {  	_ =	shalt  }
0x7a: {  	_ =	shalt  }
0x7b: {  	_ =	shalt  }
0x7c: {  	_ =	shalt  }
0x7d: {  	_ =	shalt  }
0x7e: {  	_ =	shalt  }
0x7f: {  	_ =	shalt  }
0x80: {  	_ =	shalt  }
0x81: {  	_ =	shalt  }
0x82: {  	_ =	shalt  }
0x83: {  	_ =	shalt  }
0x84: {  	_ =	shalt  }
0x85: {  	_ =	shalt  }
0x86: {  	_ =	shalt  }
0x87: {  	_ =	shalt  }
.Lfunc_end0:
.L_simem_size_0:
called_computation_lowered:
.L_overlay_start_0:
0x88: {  	s2 =	sld [smem:$0x3FD9]  }
0x89: {  	s3 =	sld [smem:$0x3FFE];
	_ =	sdelay $0x1  }
0x8a: {  	s1 =	srdreg.scid  }
0x8b: {  	s0 =	sand.u32 $0x1, s1  }
0x8c: {  	s17 =	sshll.u32 s0, $0xA;
	s2 =	sadd.s32 s3, s2  }
0x8d: {  	s2 =	sadd.s32 s2, s17  }
0x8e: {  	[smem:$0x3FC2] =	sst s2  }
0x8f: {  	_ = 	snop  }
0x90: {  	s2 =	sld [smem:$0x3FC9]  }
0x91: {  	s18 =	sld [smem:$0x3FC8]  }
0x92: {  	s4 =	sld [smem:$0x3FD0];
	(tm) =	ssettm $0x1  }
0x93: {  	s5 =	sld [smem:$0x3FFB];
	_ =	sdelay $0x3  }
0x94: {  	_ =	strace s5  }
0x95: {  	s5 =	sld [smem:$0x3FFC];
	_ =	sdelay $0x3  }
0x96: {  	_ =	strace s5  }
0x97: {  	s5 =	sld [smem:$0x3FFD];
	_ =	sdelay $0x3  }
0x98: {  	_ =	strace s5  }
0x99: {  	_ =	strace $0x8FFFFFFF  }
0x9a: {  	s19 =	sld [smem:$0x3FDB];
	_ =	sdelay $0x1  }
0x9b: {  	s6 =	simm.s32 $_scs_section_size  }
0x9c: {  	s7 =	simm.s32 $_size__tile_overlayer_lowered;
	s8 =	simm.s32 $_tile_overlayer_lowered  }
0x9d: {  	s22 =	simm.s32 $0x1BFF;
	s21 =	sshll.u32 s8, $0x1;
	s5 =	sadd.s32 s6, s19  }
0x9e: {  	s9 =	simm.s32 $0x0;
	s20 =	sshll.u32 s7, $0x1;
	s7 =	sadd.s32 s21, s5  }
0x9f: {  	[timem:s9], [sflag:s22] =	dma.local [hbm:s7], s20  }
0xa0: {  	_ =	swait.ge [sflag:s22], s20  }
0xa1: {  	s6 =	ssub.s32 $0x0, s20;
	[sflag:s22] =	ssyncset.done $0x0  }
0xa2: {  	[sflag:s22] =	ssyncadd.s32 s6;
	_ =	sdelay $0x1  }
0xa3: {  	s23 =	simm.s32 $0x1B8B  }
0xa4: {  	_ =	swait.ge [sflag:s23], $0x1  }
0xa5: {  	[sflag:s23] =	ssyncset.done $0x0  }
0xa6: {  	s25 =	simm.s32 $0x1B8E;
	s24 =	sld [smem:$0x3FFE];
	[sflag:s23] =	ssyncadd.s32 $0xFFFFFFFF  }
0xa7: {  	s26 =	simm.s32 $execute0_lowered;
	[smem:$0x3FD2] =	sst s25  }
0xa8: {  	s7 =	sshll.u32 s26, $0x1;
	_ =	strace $0x80000046;
	[dreg:$0x1] =	wrdreg $0xFFFFFFFF  }
0xa9: {  	s28 =	simm.s32 $_size_execute0_lowered;
	s5 =	sadd.s32 s5, s7;
	[dreg:$0x0] =	wrdreg $0x0  }
0xaa: {  	s7 =	sshll.u32 s28, $0x1;
	[dreg:$0x2] =	wrdreg s5  }
0xab: {  	[dreg:$0x3] =	wrdreg s7  }
0xac: {  	[dreg:$0x4] =	wrdreg $0xC0  }
0xad: {  	_ =	task [dreg:s9], $0x5FFFF  }
0xae: {  	[dreg:$0x1] =	wrdreg $0xFFFFFFFF  }
0xaf: {  	[dreg:$0x0] =	wrdreg $0x60  }
0xb0: {  	[dreg:$0x2] =	wrdreg s2  }
0xb1: {  	[dreg:$0x3] =	wrdreg s18  }
0xb2: {  	[dreg:$0x4] =	wrdreg s24  }
0xb3: {  	[dreg:$0x5] =	wrdreg s4  }
0xb4: {  	[dreg:$0x6] =	wrdreg $0x9  }
0xb5: {  	_ =	task.clear_ibuf [dreg:s9], $0x7FFFF;
	_ =	strace $0x90000046  }
0xb6: {  	s29 =	simm.s32 $0x9;
	_ =	strace $0x80000048  }
0xb7: {  	_ =	swait.ge [sflag:s29], $0x1  }
0xb8: {  	[sflag:s29] =	ssyncadd.s32 $0xFFFFFFFF  }
0xb9: {  	_ =	strace $0x90000048  }
0xba: {  	_ =	sfence  }
0xbb: {  	s30 =	sld [smem:$0x0];
	_ =	sdelay $0x2  }
0xbc: {  	s31 =	sshll.u32 s1, $0xD;
	s1 =	sshrl.u32 s1, $0x2  }
0xbd: {  	s3 =	sand.u32 $0x4000, s31;
	s1 =	sadd.s32 s1, s30  }
0xbe: {  	s0 =	sor.u32 s3, s0;
	s1 =	sshll.u32 s1, $0x11  }
0xbf: {  	s0 =	sor.u32 s1, s0  }
0xc0: {  	s0 =	sadd.s32 $0x8F2B, s0  }
0xc1: {  	[sflag:s0] =	ssyncadd.remote.s32 $0x1  }
0xc2: {  	_ =	sfence.sel $0xFFFF  }
0xc3: {  	[dreg:$0x0] =	wrdreg $0xFFFFFFFF;
	(pc) =	sbr.abs _section_cstart, $3  }
0xc4: {  	[dreg:$0x1] =	wrdreg $0xFFFFFFFF  }
0xc5: {  	_ =	task.clear_ibuf [dreg:s9], $0x2FFFF;
	_ =	strace $0x9FFFFFFF  }
0xc6: {  	(tm) =	ssettm $0x7FFFFFFF  }
0xc7: {  	_ =	shalt  }
tec
execute0_lowered:
.L_overlay_start_1:
0x0: {  	(tag) =	ssettag $0x1  }
0x1: {  	s7 =	rddreg [dreg:$0x0]  }
0x2: {  	s8 =	rddreg [dreg:$0x1]  }
0x3: {  	s6 =	rddreg [dreg:$0x2]  }
0x4: {  	s9 =	rddreg [dreg:$0x3]  }
0x5: {  	s0 =	rddreg [dreg:$0x4];
	s1 =	simm.s32 $0x0;
	s5 =	srdreg.scid  }
0x6: {  	s2 =	stileid.u32;
	s14 =	simm.s32 $0x4400;
	s15 =	simm.s32 $0x8400  }
0x7: {  	s16 =	simm.s32 $0x9400;
	s17 =	simm.s32 $0x1;
	s18 =	simm.s32 $0xA400  }
0x8: {  	s19 =	simm.s32 $0x0;
	[smem:$0x7FF] =	sst s1;
	s3 =	sadd.s32 $0x14FBC00, s6  }
0x9: {  	s4 =	sadd.s32 $0x112B200, s6;
	s5 =	sand.u32 $0x1, s5;
	s11 =	sshll.u32 s2, $0x7  }
0xa: {  	_ =	strace $0x80000047;
	s10 =	ssub.s32 $0x2, s5;
	s12 =	sshll.u32 s5, $0x6  }
0xb: {  	s5 =	sadd.s32 $0xF4A00, s6;
	s6 =	sadd.s32 $0x600, s6;
	s13 =	sshrl.u32 s10, $0x1  }
0xc: {  	s11 =	sor.u32 s12, s11;
	s12 =	simm.s32 $0x200;
	s10 =	ssub.s32 s10, s13  }
0xd: {  	s7 =	sadd.s32 s7, s11;
	s8 =	sadd.s32 s8, s11;
	s9 =	sadd.s32 s9, s11  }
0xe: {  	v0 =	vlaneseq.u32;
	s11 =	simm.s32 $0x2;
	s13 =	simm.s32 $0x400;
	s10 =	smax.u32 s10, $0x1  }
.LBB2_1:
0xf: {  	[tilespmem:s1], [sflag:$0x2] =	stream.linear.gather [hbm4b:s7+s1], $0x200, $0x38;
	[tilespmem:$0xA600] =	vst v63  }
0x10: {  	_ =	swait.ge [sflag:s11], $0x200  }
0x11: {  	[sflag:s11] =	ssyncset.done $0x0  }
0x12: {  	[sflag:s11] =	ssyncadd.s32 $0xFFFFFE00  }
0x13: {  	[tilespmem:s12], [sflag:$0x2] =	stream.linear.gather [hbm4b:s8+s1], $0x200, $0x38;
	[tilespmem:$0xA600] =	vst v63  }
0x14: {  	_ =	swait.ge [sflag:s11], $0x200  }
0x15: {  	[sflag:s11] =	ssyncset.done $0x0  }
0x16: {  	[sflag:s11] =	ssyncadd.s32 $0xFFFFFE00  }
0x17: {  	[tilespmem:s13], [sflag:$0x1] =	stream.indirect.gather [hbm4b:s3+s12], $0x20, s1, s12, $0xb8;
	[tilespmem:$0xA600] =	vst v63  }
0x18: {  	_ = 	snop  }
0x19: {  	[tilespmem:s14], [sflag:$0x1] =	stream.indirect.gather [hbm4b:s4+s12], $0x20, s12, s12, $0xb8;
	[tilespmem:$0xA600] =	vst v63  }
0x1a: {  	_ = 	snop  }
0x1b: {  	[tilespmem:s15], [sflag:$0x1] =	stream.indirect.gather [hbm4b:s5+s12], $0x1, s1, s12, $0xb8;
	[tilespmem:$0xA600] =	vst v63  }
0x1c: {  	_ = 	snop  }
0x1d: {  	[tilespmem:s16], [sflag:$0x1] =	stream.indirect.gather [hbm4b:s6+s12], $0x1, s12, s12, $0xb8;
	[tilespmem:$0xA600] =	vst v63  }
0x1e: {  	_ =	swait.ge [sflag:s17], $0x4000  }
0x1f: {  	[sflag:s17] =	ssyncset.done $0x0  }
0x20: {  	[sflag:s17] =	ssyncadd.s32 $0xFFFFC000  }
0x21: {  	_ =	swait.ge [sflag:s17], $0x4000  }
0x22: {  	[sflag:s17] =	ssyncset.done $0x0  }
0x23: {  	[sflag:s17] =	ssyncadd.s32 $0xFFFFC000  }
0x24: {  	v1 =	vor.u32 s1, v0;
	_ =	swait.ge [sflag:s17], $0x200  }
0x25: {  	v2 =	vshll.u32 v1, $0x3;
	[sflag:s17] =	ssyncset.done $0x0  }
0x26: {  	[sflag:s17] =	ssyncadd.s32 $0xFFFFFE00  }
0x27: {  	v1 =	vshll.u32 v1, $0x5;
	_ =	swait.ge [sflag:s17], $0x200  }
0x28: {  	[sflag:s17] =	ssyncset.done $0x0  }
0x29: {  	v3 =	vor.u32 $0x1, v1;
	[sflag:s17] =	ssyncadd.s32 $0xFFFFFE00  }
0x2a: {  	v4 =	vld.idx.msk [tilespmem:v2+s16+$0x0], $0xffff  }
0x2b: {  	v5 =	vor.u32 $0x2, v1;
	v2 =	vld.idx.msk [tilespmem:v2+s15+$0x0], $0xffff  }
0x2c: {  	v6 =	vld.idx.msk [tilespmem:v1+s13+$0x0], $0xffff  }
0x2d: {  	v8 =	vor.u32 $0x3, v1;
	v7 =	vld.idx.msk [tilespmem:v1+s14+$0x0], $0xffff  }
0x2e: {  	v9 =	vld.idx.msk [tilespmem:v3+s13+$0x0], $0xffff  }
0x2f: {  	v10 =	vor.u32 $0x4, v1;
	v3 =	vld.idx.msk [tilespmem:v3+s14+$0x0], $0xffff  }
0x30: {  	v11 =	vld.idx.msk [tilespmem:v5+s13+$0x0], $0xffff  }
0x31: {  	v12 =	vor.u32 $0x5, v1;
	v5 =	vld.idx.msk [tilespmem:v5+s14+$0x0], $0xffff  }
0x32: {  	v13 =	vld.idx.msk [tilespmem:v8+s13+$0x0], $0xffff;
	v2 =	vadd.f32 v4, v2;
	v4 =	vmul.f32 v7, v6  }
0x33: {  	v27 =	vor.u32 $0x6, v1;
	v26 =	vld.idx.msk [tilespmem:v8+s14+$0x0], $0xffff  }
0x34: {  	v28 =	vld.idx.msk [tilespmem:v10+s13+$0x0], $0xffff;
	v3 =	vmul.f32 v3, v9;
	v2 =	vadd.f32 v4, v2  }
0x35: {  	v29 =	vor.u32 $0x7, v1;
	v4 =	vld.idx.msk [tilespmem:v10+s14+$0x0], $0xffff  }
0x36: {  	v30 =	vld.idx.msk [tilespmem:v12+s13+$0x0], $0xffff;
	v2 =	vadd.f32 v3, v2;
	v3 =	vmul.f32 v5, v11  }
0x37: {  	v31 =	vor.u32 $0x8, v1;
	v5 =	vld.idx.msk [tilespmem:v12+s14+$0x0], $0xffff  }
0x38: {  	v32 =	vld.idx.msk [tilespmem:v27+s13+$0x0], $0xffff;
	v2 =	vadd.f32 v3, v2;
	v3 =	vmul.f32 v26, v13  }
0x39: {  	v34 =	vor.u32 $0x9, v1;
	v33 =	vld.idx.msk [tilespmem:v27+s14+$0x0], $0xffff  }
0x3a: {  	v35 =	vld.idx.msk [tilespmem:v29+s13+$0x0], $0xffff;
	v2 =	vadd.f32 v3, v2;
	v3 =	vmul.f32 v4, v28  }
0x3b: {  	v36 =	vor.u32 $0xA, v1;
	v4 =	vld.idx.msk [tilespmem:v29+s14+$0x0], $0xffff  }
0x3c: {  	v37 =	vld.idx.msk [tilespmem:v31+s13+$0x0], $0xffff;
	v2 =	vadd.f32 v3, v2;
	v3 =	vmul.f32 v5, v30  }
0x3d: {  	v38 =	vor.u32 $0xB, v1;
	v5 =	vld.idx.msk [tilespmem:v31+s14+$0x0], $0xffff  }
0x3e: {  	v39 =	vld.idx.msk [tilespmem:v34+s13+$0x0], $0xffff;
	v2 =	vadd.f32 v3, v2;
	v3 =	vmul.f32 v33, v32  }
0x3f: {  	v41 =	vor.u32 $0xC, v1;
	v40 =	vld.idx.msk [tilespmem:v34+s14+$0x0], $0xffff  }
0x40: {  	v42 =	vld.idx.msk [tilespmem:v36+s13+$0x0], $0xffff;
	v2 =	vadd.f32 v3, v2;
	v3 =	vmul.f32 v4, v35  }
0x41: {  	v43 =	vor.u32 $0xD, v1;
	v4 =	vld.idx.msk [tilespmem:v36+s14+$0x0], $0xffff  }
0x42: {  	v44 =	vld.idx.msk [tilespmem:v38+s13+$0x0], $0xffff;
	v2 =	vadd.f32 v3, v2;
	v3 =	vmul.f32 v5, v37  }
0x43: {  	v45 =	vor.u32 $0xE, v1;
	v5 =	vld.idx.msk [tilespmem:v38+s14+$0x0], $0xffff  }
0x44: {  	v46 =	vld.idx.msk [tilespmem:v41+s13+$0x0], $0xffff;
	v2 =	vadd.f32 v3, v2;
	v3 =	vmul.f32 v40, v39  }
0x45: {  	v48 =	vor.u32 $0xF, v1;
	v47 =	vld.idx.msk [tilespmem:v41+s14+$0x0], $0xffff  }
0x46: {  	v49 =	vld.idx.msk [tilespmem:v43+s13+$0x0], $0xffff;
	v2 =	vadd.f32 v3, v2;
	v3 =	vmul.f32 v4, v42  }
0x47: {  	v50 =	vor.u32 $0x10, v1;
	v4 =	vld.idx.msk [tilespmem:v43+s14+$0x0], $0xffff  }
0x48: {  	v51 =	vld.idx.msk [tilespmem:v45+s13+$0x0], $0xffff;
	v2 =	vadd.f32 v3, v2;
	v3 =	vmul.f32 v5, v44  }
0x49: {  	v52 =	vor.u32 $0x11, v1;
	v5 =	vld.idx.msk [tilespmem:v45+s14+$0x0], $0xffff  }
0x4a: {  	v53 =	vld.idx.msk [tilespmem:v48+s13+$0x0], $0xffff;
	v2 =	vadd.f32 v3, v2;
	v3 =	vmul.f32 v47, v46  }
0x4b: {  	v55 =	vor.u32 $0x12, v1;
	v54 =	vld.idx.msk [tilespmem:v48+s14+$0x0], $0xffff  }
0x4c: {  	v56 =	vld.idx.msk [tilespmem:v50+s13+$0x0], $0xffff;
	v2 =	vadd.f32 v3, v2;
	v3 =	vmul.f32 v4, v49  }
0x4d: {  	v57 =	vor.u32 $0x13, v1;
	v4 =	vld.idx.msk [tilespmem:v50+s14+$0x0], $0xffff  }
0x4e: {  	v58 =	vld.idx.msk [tilespmem:v52+s13+$0x0], $0xffff;
	v2 =	vadd.f32 v3, v2;
	v3 =	vmul.f32 v5, v51  }
0x4f: {  	v59 =	vor.u32 $0x14, v1;
	v5 =	vld.idx.msk [tilespmem:v52+s14+$0x0], $0xffff  }
0x50: {  	v60 =	vld.idx.msk [tilespmem:v55+s13+$0x0], $0xffff;
	v2 =	vadd.f32 v3, v2;
	v3 =	vmul.f32 v54, v53  }
0x51: {  	v62 =	vor.u32 $0x15, v1;
	v61 =	vld.idx.msk [tilespmem:v55+s14+$0x0], $0xffff  }
0x52: {  	v63 =	vld.idx.msk [tilespmem:v57+s13+$0x0], $0xffff;
	v2 =	vadd.f32 v3, v2;
	v3 =	vmul.f32 v4, v56  }
0x53: {  	v16 =	vor.u32 $0x16, v1;
	v4 =	vld.idx.msk [tilespmem:v57+s14+$0x0], $0xffff  }
0x54: {  	v17 =	vld.idx.msk [tilespmem:v59+s13+$0x0], $0xffff;
	v2 =	vadd.f32 v3, v2;
	v3 =	vmul.f32 v5, v58  }
0x55: {  	v18 =	vor.u32 $0x17, v1;
	v5 =	vld.idx.msk [tilespmem:v59+s14+$0x0], $0xffff  }
0x56: {  	v19 =	vld.idx.msk [tilespmem:v62+s13+$0x0], $0xffff;
	v2 =	vadd.f32 v3, v2;
	v3 =	vmul.f32 v61, v60  }
0x57: {  	v21 =	vor.u32 $0x18, v1;
	v20 =	vld.idx.msk [tilespmem:v62+s14+$0x0], $0xffff  }
0x58: {  	v22 =	vld.idx.msk [tilespmem:v16+s13+$0x0], $0xffff;
	v2 =	vadd.f32 v3, v2;
	v3 =	vmul.f32 v4, v63  }
0x59: {  	v23 =	vor.u32 $0x19, v1;
	v4 =	vld.idx.msk [tilespmem:v16+s14+$0x0], $0xffff  }
0x5a: {  	v24 =	vld.idx.msk [tilespmem:v18+s13+$0x0], $0xffff;
	v2 =	vadd.f32 v3, v2;
	v3 =	vmul.f32 v5, v17  }
0x5b: {  	v25 =	vor.u32 $0x1A, v1;
	v5 =	vld.idx.msk [tilespmem:v18+s14+$0x0], $0xffff  }
0x5c: {  	v27 =	vld.idx.msk [tilespmem:v21+s14+$0x0], $0xffff;
	v2 =	vadd.f32 v3, v2;
	v3 =	vmul.f32 v20, v19  }
0x5d: {  	v26 =	vld.idx.msk [tilespmem:v21+s13+$0x0], $0xffff;
	v28 =	vor.u32 $0x1B, v1  }
0x5e: {  	v29 =	vld.idx.msk [tilespmem:v23+s13+$0x0], $0xffff;
	v2 =	vadd.f32 v3, v2;
	v3 =	vmul.f32 v4, v22  }
0x5f: {  	v30 =	vor.u32 $0x1C, v1;
	v4 =	vld.idx.msk [tilespmem:v23+s14+$0x0], $0xffff  }
0x60: {  	v31 =	vld.idx.msk [tilespmem:v25+s13+$0x0], $0xffff;
	v2 =	vadd.f32 v3, v2;
	v3 =	vmul.f32 v5, v24  }
0x61: {  	v32 =	vor.u32 $0x1D, v1;
	v5 =	vld.idx.msk [tilespmem:v25+s14+$0x0], $0xffff  }
0x62: {  	v33 =	vld.idx.msk [tilespmem:v28+s13+$0x0], $0xffff;
	v2 =	vadd.f32 v3, v2;
	v3 =	vmul.f32 v27, v26  }
0x63: {  	v34 =	vld.idx.msk [tilespmem:v28+s14+$0x0], $0xffff;
	v35 =	vor.u32 $0x1E, v1  }
0x64: {  	v36 =	vld.idx.msk [tilespmem:v30+s13+$0x0], $0xffff;
	v2 =	vadd.f32 v3, v2;
	v3 =	vmul.f32 v4, v29  }
0x65: {  	v1 =	vor.u32 $0x1F, v1;
	v4 =	vld.idx.msk [tilespmem:v30+s14+$0x0], $0xffff  }
0x66: {  	v37 =	vld.idx.msk [tilespmem:v32+s13+$0x0], $0xffff;
	v2 =	vadd.f32 v3, v2;
	v3 =	vmul.f32 v5, v31  }
0x67: {  	v5 =	vld.idx.msk [tilespmem:v32+s14+$0x0], $0xffff  }
0x68: {  	v38 =	vld.idx.msk [tilespmem:v35+s13+$0x0], $0xffff;
	v2 =	vadd.f32 v3, v2;
	v3 =	vmul.f32 v34, v33  }
0x69: {  	v39 =	vld.idx.msk [tilespmem:v35+s14+$0x0], $0xffff  }
0x6a: {  	v40 =	vld.idx.msk [tilespmem:v1+s13+$0x0], $0xffff;
	v2 =	vadd.f32 v3, v2;
	v3 =	vmul.f32 v4, v36  }
0x6b: {  	v1 =	vld.idx.msk [tilespmem:v1+s14+$0x0], $0xffff  }
0x6c: {  	v2 =	vadd.f32 v3, v2;
	v3 =	vmul.f32 v5, v37;
	_ =	sdelay $0x1  }
0x6d: {  	s20 =	simm.s32 $0x10;
	v2 =	vadd.f32 v3, v2;
	v3 =	vmul.f32 v39, v38  }
0x6e: {  	v4 =	vor.u32 s20, v0  }
0x6f: {  	v5 =	vshll.u32 v4, $0x3;
	v2 =	vadd.f32 v3, v2;
	v3 =	vmul.f32 v1, v40;
	_ =	sdelay $0x1  }
0x70: {  	v1 =	vshll.u32 v4, $0x5;
	v2 =	vadd.f32 v3, v2;
	_ =	sdelay $0x1  }
0x71: {  	v43 =	vor.u32 $0x3, v1;
	[tilespmem:s18+$0x0] =	vst v2  }
0x72: {  	v3 =	vor.u32 $0x1, v1;
	v2 =	vld.idx.msk [tilespmem:v5+s16+$0x0], $0xffff  }
0x73: {  	v4 =	vld.idx.msk [tilespmem:v5+s15+$0x0], $0xffff  }
0x74: {  	v5 =	vor.u32 $0x2, v1;
	v41 =	vld.idx.msk [tilespmem:v1+s13+$0x0], $0xffff  }
0x75: {  	v42 =	vld.idx.msk [tilespmem:v1+s14+$0x0], $0xffff  }
0x76: {  	v48 =	vld.idx.msk [tilespmem:v43+s13+$0x0], $0xffff  }
0x77: {  	v45 =	vor.u32 $0x4, v1;
	v44 =	vld.idx.msk [tilespmem:v3+s13+$0x0], $0xffff  }
0x78: {  	v47 =	vor.u32 $0x5, v1;
	v3 =	vld.idx.msk [tilespmem:v3+s14+$0x0], $0xffff  }
0x79: {  	v46 =	vld.idx.msk [tilespmem:v5+s13+$0x0], $0xffff  }
0x7a: {  	v50 =	vor.u32 $0x6, v1;
	v5 =	vld.idx.msk [tilespmem:v5+s14+$0x0], $0xffff  }
0x7b: {  	v49 =	vld.idx.msk [tilespmem:v43+s14+$0x0], $0xffff;
	v2 =	vadd.f32 v2, v4;
	v4 =	vmul.f32 v42, v41  }
0x7c: {  	v51 =	vld.idx.msk [tilespmem:v45+s13+$0x0], $0xffff  }
0x7d: {  	v52 =	vor.u32 $0x7, v1;
	v53 =	vld.idx.msk [tilespmem:v47+s13+$0x0], $0xffff;
	v2 =	vadd.f32 v4, v2;
	v3 =	vmul.f32 v3, v44  }
0x7e: {  	v54 =	vor.u32 $0x8, v1;
	v4 =	vld.idx.msk [tilespmem:v45+s14+$0x0], $0xffff  }
0x7f: {  	v55 =	vld.idx.msk [tilespmem:v50+s13+$0x0], $0xffff;
	v2 =	vadd.f32 v3, v2;
	v3 =	vmul.f32 v5, v46  }
0x80: {  	v57 =	vor.u32 $0x9, v1;
	v5 =	vld.idx.msk [tilespmem:v47+s14+$0x0], $0xffff  }
0x81: {  	v56 =	vld.idx.msk [tilespmem:v50+s14+$0x0], $0xffff;
	v2 =	vadd.f32 v3, v2;
	v3 =	vmul.f32 v49, v48  }
0x82: {  	v58 =	vld.idx.msk [tilespmem:v52+s13+$0x0], $0xffff  }
0x83: {  	v59 =	vor.u32 $0xA, v1;
	v60 =	vld.idx.msk [tilespmem:v54+s13+$0x0], $0xffff;
	v2 =	vadd.f32 v3, v2;
	v3 =	vmul.f32 v4, v51  }
0x84: {  	v61 =	vor.u32 $0xB, v1;
	v4 =	vld.idx.msk [tilespmem:v52+s14+$0x0], $0xffff  }
0x85: {  	v62 =	vld.idx.msk [tilespmem:v57+s13+$0x0], $0xffff;
	v2 =	vadd.f32 v3, v2;
	v3 =	vmul.f32 v5, v53  }
0x86: {  	v16 =	vor.u32 $0xC, v1;
	v5 =	vld.idx.msk [tilespmem:v54+s14+$0x0], $0xffff  }
0x87: {  	v63 =	vld.idx.msk [tilespmem:v57+s14+$0x0], $0xffff;
	v2 =	vadd.f32 v3, v2;
	v3 =	vmul.f32 v56, v55  }
0x88: {  	v17 =	vld.idx.msk [tilespmem:v59+s13+$0x0], $0xffff  }
0x89: {  	v18 =	vor.u32 $0xD, v1;
	v19 =	vld.idx.msk [tilespmem:v61+s13+$0x0], $0xffff;
	v2 =	vadd.f32 v3, v2;
	v3 =	vmul.f32 v4, v58  }
0x8a: {  	v20 =	vor.u32 $0xE, v1;
	v4 =	vld.idx.msk [tilespmem:v59+s14+$0x0], $0xffff  }
0x8b: {  	v21 =	vld.idx.msk [tilespmem:v16+s13+$0x0], $0xffff;
	v2 =	vadd.f32 v3, v2;
	v3 =	vmul.f32 v5, v60  }
0x8c: {  	v23 =	vor.u32 $0xF, v1;
	v5 =	vld.idx.msk [tilespmem:v61+s14+$0x0], $0xffff  }
0x8d: {  	v22 =	vld.idx.msk [tilespmem:v16+s14+$0x0], $0xffff;
	v2 =	vadd.f32 v3, v2;
	v3 =	vmul.f32 v63, v62  }
0x8e: {  	v24 =	vld.idx.msk [tilespmem:v18+s13+$0x0], $0xffff  }
0x8f: {  	v25 =	vor.u32 $0x10, v1;
	v26 =	vld.idx.msk [tilespmem:v20+s13+$0x0], $0xffff;
	v2 =	vadd.f32 v3, v2;
	v3 =	vmul.f32 v4, v17  }
0x90: {  	v27 =	vor.u32 $0x11, v1;
	v4 =	vld.idx.msk [tilespmem:v18+s14+$0x0], $0xffff  }
0x91: {  	v28 =	vld.idx.msk [tilespmem:v23+s13+$0x0], $0xffff;
	v2 =	vadd.f32 v3, v2;
	v3 =	vmul.f32 v5, v19  }
0x92: {  	v30 =	vor.u32 $0x12, v1;
	v5 =	vld.idx.msk [tilespmem:v20+s14+$0x0], $0xffff  }
0x93: {  	v29 =	vld.idx.msk [tilespmem:v23+s14+$0x0], $0xffff;
	v2 =	vadd.f32 v3, v2;
	v3 =	vmul.f32 v22, v21  }
0x94: {  	v31 =	vld.idx.msk [tilespmem:v25+s13+$0x0], $0xffff  }
0x95: {  	v32 =	vor.u32 $0x13, v1;
	v33 =	vld.idx.msk [tilespmem:v27+s13+$0x0], $0xffff;
	v2 =	vadd.f32 v3, v2;
	v3 =	vmul.f32 v4, v24  }
0x96: {  	v34 =	vor.u32 $0x14, v1;
	v4 =	vld.idx.msk [tilespmem:v25+s14+$0x0], $0xffff  }
0x97: {  	v35 =	vld.idx.msk [tilespmem:v30+s13+$0x0], $0xffff;
	v2 =	vadd.f32 v3, v2;
	v3 =	vmul.f32 v5, v26  }
0x98: {  	v37 =	vor.u32 $0x15, v1;
	v5 =	vld.idx.msk [tilespmem:v27+s14+$0x0], $0xffff  }
0x99: {  	v36 =	vld.idx.msk [tilespmem:v30+s14+$0x0], $0xffff;
	v2 =	vadd.f32 v3, v2;
	v3 =	vmul.f32 v29, v28  }
0x9a: {  	v38 =	vld.idx.msk [tilespmem:v32+s13+$0x0], $0xffff  }
0x9b: {  	v39 =	vor.u32 $0x16, v1;
	v40 =	vld.idx.msk [tilespmem:v34+s13+$0x0], $0xffff;
	v2 =	vadd.f32 v3, v2;
	v3 =	vmul.f32 v4, v31  }
0x9c: {  	v41 =	vor.u32 $0x17, v1;
	v4 =	vld.idx.msk [tilespmem:v32+s14+$0x0], $0xffff  }
0x9d: {  	v43 =	vld.idx.msk [tilespmem:v37+s14+$0x0], $0xffff;
	v2 =	vadd.f32 v3, v2;
	v3 =	vmul.f32 v5, v33  }
0x9e: {  	v44 =	vor.u32 $0x18, v1;
	v5 =	vld.idx.msk [tilespmem:v34+s14+$0x0], $0xffff  }
0x9f: {  	v42 =	vld.idx.msk [tilespmem:v37+s13+$0x0], $0xffff;
	v2 =	vadd.f32 v3, v2;
	v3 =	vmul.f32 v36, v35  }
0xa0: {  	v45 =	vld.idx.msk [tilespmem:v39+s13+$0x0], $0xffff  }
0xa1: {  	v46 =	vor.u32 $0x19, v1;
	v47 =	vld.idx.msk [tilespmem:v41+s13+$0x0], $0xffff;
	v2 =	vadd.f32 v3, v2;
	v3 =	vmul.f32 v4, v38  }
0xa2: {  	v48 =	vor.u32 $0x1A, v1;
	v4 =	vld.idx.msk [tilespmem:v39+s14+$0x0], $0xffff  }
0xa3: {  	v49 =	vld.idx.msk [tilespmem:v44+s13+$0x0], $0xffff;
	v2 =	vadd.f32 v3, v2;
	v3 =	vmul.f32 v5, v40  }
0xa4: {  	v51 =	vor.u32 $0x1B, v1;
	v5 =	vld.idx.msk [tilespmem:v41+s14+$0x0], $0xffff  }
0xa5: {  	v50 =	vld.idx.msk [tilespmem:v44+s14+$0x0], $0xffff;
	v2 =	vadd.f32 v3, v2;
	v3 =	vmul.f32 v43, v42  }
0xa6: {  	v52 =	vld.idx.msk [tilespmem:v46+s13+$0x0], $0xffff  }
0xa7: {  	v53 =	vor.u32 $0x1C, v1;
	v54 =	vld.idx.msk [tilespmem:v48+s13+$0x0], $0xffff;
	v2 =	vadd.f32 v3, v2;
	v3 =	vmul.f32 v4, v45  }
0xa8: {  	v55 =	vor.u32 $0x1D, v1;
	v4 =	vld.idx.msk [tilespmem:v46+s14+$0x0], $0xffff  }
0xa9: {  	v56 =	vld.idx.msk [tilespmem:v51+s13+$0x0], $0xffff;
	v2 =	vadd.f32 v3, v2;
	v3 =	vmul.f32 v5, v47  }
0xaa: {  	v58 =	vor.u32 $0x1E, v1;
	v5 =	vld.idx.msk [tilespmem:v48+s14+$0x0], $0xffff  }
0xab: {  	v57 =	vld.idx.msk [tilespmem:v51+s14+$0x0], $0xffff;
	v2 =	vadd.f32 v3, v2;
	v3 =	vmul.f32 v50, v49  }
0xac: {  	v59 =	vld.idx.msk [tilespmem:v53+s13+$0x0], $0xffff  }
0xad: {  	v1 =	vor.u32 $0x1F, v1;
	v60 =	vld.idx.msk [tilespmem:v55+s13+$0x0], $0xffff;
	v2 =	vadd.f32 v3, v2;
	v3 =	vmul.f32 v4, v52  }
0xae: {  	v4 =	vld.idx.msk [tilespmem:v53+s14+$0x0], $0xffff  }
0xaf: {  	v61 =	vld.idx.msk [tilespmem:v58+s13+$0x0], $0xffff;
	v2 =	vadd.f32 v3, v2;
	v3 =	vmul.f32 v5, v54  }
0xb0: {  	v5 =	vld.idx.msk [tilespmem:v55+s14+$0x0], $0xffff  }
0xb1: {  	v62 =	vld.idx.msk [tilespmem:v58+s14+$0x0], $0xffff;
	v2 =	vadd.f32 v3, v2;
	v3 =	vmul.f32 v57, v56  }
0xb2: {  	v63 =	vld.idx.msk [tilespmem:v1+s13+$0x0], $0xffff  }
0xb3: {  	v1 =	vld.idx.msk [tilespmem:v1+s14+$0x0], $0xffff;
	v2 =	vadd.f32 v3, v2;
	v3 =	vmul.f32 v4, v59;
	_ =	sdelay $0x1  }
0xb4: {  	v2 =	vadd.f32 v3, v2;
	v3 =	vmul.f32 v5, v60;
	_ =	sdelay $0x1  }
0xb5: {  	s31 =	simm.s32 $0x20;
	v2 =	vadd.f32 v3, v2;
	v3 =	vmul.f32 v62, v61  }
0xb6: {  	v4 =	vmul.f32 v1, v63;
	v1 =	vor.u32 s31, v0  }
0xb7: {  	v3 =	vadd.f32 v3, v2;
	v2 =	vshll.u32 v1, $0x3;
	_ =	sdelay $0x1  }
0xb8: {  	s21 =	simm.s32 $0xA400;
	s20 =	simm.s32 $0x30;
	v1 =	vshll.u32 v1, $0x5;
	v3 =	vadd.f32 v4, v3  }
.LBB2_2:
0xb9: {  	p0 =	sne.s32 s20, $0x1F0;
	s21 =	sadd.s32 $0x10, s21  }
0xba: {  	v4 =	vor.u32 $0x1, v1;
	[tilespmem:s21+$0x0] =	vst v3  }
0xbb: {  	v3 =	vld.idx.msk [tilespmem:v2+s16+$0x0], $0xffff  }
0xbc: {  	v5 =	vor.u32 $0x2, v1;
	v2 =	vld.idx.msk [tilespmem:v2+s15+$0x0], $0xffff  }
0xbd: {  	v6 =	vld.idx.msk [tilespmem:v1+s13+$0x0], $0xffff  }
0xbe: {  	v8 =	vor.u32 $0x3, v1;
	v7 =	vld.idx.msk [tilespmem:v1+s14+$0x0], $0xffff  }
0xbf: {  	v9 =	vld.idx.msk [tilespmem:v4+s13+$0x0], $0xffff  }
0xc0: {  	v10 =	vor.u32 $0x4, v1;
	v4 =	vld.idx.msk [tilespmem:v4+s14+$0x0], $0xffff  }
0xc1: {  	v11 =	vld.idx.msk [tilespmem:v5+s13+$0x0], $0xffff  }
0xc2: {  	v12 =	vor.u32 $0x5, v1;
	v5 =	vld.idx.msk [tilespmem:v5+s14+$0x0], $0xffff  }
0xc3: {  	v13 =	vld.idx.msk [tilespmem:v8+s13+$0x0], $0xffff  }
0xc4: {  	v2 =	vadd.f32 v3, v2;
	v3 =	vmul.f32 v7, v6;
	v7 =	vor.u32 $0x6, v1;
	v6 =	vld.idx.msk [tilespmem:v8+s14+$0x0], $0xffff  }
0xc5: {  	v8 =	vld.idx.msk [tilespmem:v10+s13+$0x0], $0xffff  }
0xc6: {  	v2 =	vadd.f32 v3, v2;
	v3 =	vmul.f32 v4, v9;
	v9 =	vor.u32 $0x7, v1;
	v4 =	vld.idx.msk [tilespmem:v10+s14+$0x0], $0xffff  }
0xc7: {  	v10 =	vld.idx.msk [tilespmem:v12+s13+$0x0], $0xffff  }
0xc8: {  	v2 =	vadd.f32 v3, v2;
	v3 =	vmul.f32 v5, v11;
	v11 =	vor.u32 $0x8, v1;
	v5 =	vld.idx.msk [tilespmem:v12+s14+$0x0], $0xffff  }
0xc9: {  	v12 =	vld.idx.msk [tilespmem:v7+s13+$0x0], $0xffff  }
0xca: {  	v2 =	vadd.f32 v3, v2;
	v3 =	vmul.f32 v6, v13;
	v6 =	vld.idx.msk [tilespmem:v7+s14+$0x0], $0xffff;
	v7 =	vor.u32 $0x9, v1  }
0xcb: {  	v13 =	vld.idx.msk [tilespmem:v9+s13+$0x0], $0xffff  }
0xcc: {  	v2 =	vadd.f32 v3, v2;
	v3 =	vmul.f32 v4, v8;
	v8 =	vor.u32 $0xA, v1;
	v4 =	vld.idx.msk [tilespmem:v9+s14+$0x0], $0xffff  }
0xcd: {  	v9 =	vld.idx.msk [tilespmem:v11+s13+$0x0], $0xffff  }
0xce: {  	v2 =	vadd.f32 v3, v2;
	v3 =	vmul.f32 v5, v10;
	v10 =	vor.u32 $0xB, v1;
	v5 =	vld.idx.msk [tilespmem:v11+s14+$0x0], $0xffff  }
0xcf: {  	v11 =	vld.idx.msk [tilespmem:v7+s13+$0x0], $0xffff  }
0xd0: {  	v2 =	vadd.f32 v3, v2;
	v3 =	vmul.f32 v6, v12;
	v6 =	vld.idx.msk [tilespmem:v7+s14+$0x0], $0xffff;
	v7 =	vor.u32 $0xC, v1  }
0xd1: {  	v12 =	vld.idx.msk [tilespmem:v8+s13+$0x0], $0xffff  }
0xd2: {  	v2 =	vadd.f32 v3, v2;
	v3 =	vmul.f32 v4, v13;
	v4 =	vld.idx.msk [tilespmem:v8+s14+$0x0], $0xffff;
	v8 =	vor.u32 $0xD, v1  }
0xd3: {  	v13 =	vld.idx.msk [tilespmem:v10+s13+$0x0], $0xffff  }
0xd4: {  	v2 =	vadd.f32 v3, v2;
	v3 =	vmul.f32 v5, v9;
	v9 =	vor.u32 $0xE, v1;
	v5 =	vld.idx.msk [tilespmem:v10+s14+$0x0], $0xffff  }
0xd5: {  	v10 =	vld.idx.msk [tilespmem:v7+s13+$0x0], $0xffff  }
0xd6: {  	v2 =	vadd.f32 v3, v2;
	v3 =	vmul.f32 v6, v11;
	v6 =	vld.idx.msk [tilespmem:v7+s14+$0x0], $0xffff;
	v7 =	vor.u32 $0xF, v1  }
0xd7: {  	v11 =	vld.idx.msk [tilespmem:v8+s13+$0x0], $0xffff  }
0xd8: {  	v2 =	vadd.f32 v3, v2;
	v3 =	vmul.f32 v4, v12;
	v4 =	vld.idx.msk [tilespmem:v8+s14+$0x0], $0xffff;
	v8 =	vor.u32 $0x10, v1  }
0xd9: {  	v12 =	vld.idx.msk [tilespmem:v9+s13+$0x0], $0xffff  }
0xda: {  	v2 =	vadd.f32 v3, v2;
	v3 =	vmul.f32 v5, v13;
	v5 =	vld.idx.msk [tilespmem:v9+s14+$0x0], $0xffff;
	v9 =	vor.u32 $0x11, v1  }
0xdb: {  	v13 =	vld.idx.msk [tilespmem:v7+s13+$0x0], $0xffff  }
0xdc: {  	v2 =	vadd.f32 v3, v2;
	v3 =	vmul.f32 v6, v10;
	v6 =	vld.idx.msk [tilespmem:v7+s14+$0x0], $0xffff;
	v7 =	vor.u32 $0x12, v1  }
0xdd: {  	v10 =	vld.idx.msk [tilespmem:v8+s13+$0x0], $0xffff  }
0xde: {  	v2 =	vadd.f32 v3, v2;
	v3 =	vmul.f32 v4, v11;
	v4 =	vld.idx.msk [tilespmem:v8+s14+$0x0], $0xffff;
	v8 =	vor.u32 $0x13, v1  }
0xdf: {  	v11 =	vld.idx.msk [tilespmem:v9+s13+$0x0], $0xffff  }
0xe0: {  	v2 =	vadd.f32 v3, v2;
	v3 =	vmul.f32 v5, v12;
	v5 =	vld.idx.msk [tilespmem:v9+s14+$0x0], $0xffff;
	v9 =	vor.u32 $0x14, v1  }
0xe1: {  	v12 =	vld.idx.msk [tilespmem:v7+s13+$0x0], $0xffff  }
0xe2: {  	v2 =	vadd.f32 v3, v2;
	v3 =	vmul.f32 v6, v13;
	v6 =	vld.idx.msk [tilespmem:v7+s14+$0x0], $0xffff;
	v7 =	vor.u32 $0x15, v1  }
0xe3: {  	v13 =	vld.idx.msk [tilespmem:v8+s13+$0x0], $0xffff  }
0xe4: {  	v2 =	vadd.f32 v3, v2;
	v3 =	vmul.f32 v4, v10;
	v4 =	vld.idx.msk [tilespmem:v8+s14+$0x0], $0xffff;
	v8 =	vor.u32 $0x16, v1  }
0xe5: {  	v10 =	vld.idx.msk [tilespmem:v9+s13+$0x0], $0xffff  }
0xe6: {  	v2 =	vadd.f32 v3, v2;
	v3 =	vmul.f32 v5, v11;
	v5 =	vld.idx.msk [tilespmem:v9+s14+$0x0], $0xffff;
	v9 =	vor.u32 $0x17, v1  }
0xe7: {  	v11 =	vld.idx.msk [tilespmem:v7+s13+$0x0], $0xffff  }
0xe8: {  	v2 =	vadd.f32 v3, v2;
	v3 =	vmul.f32 v6, v12;
	v6 =	vld.idx.msk [tilespmem:v7+s14+$0x0], $0xffff;
	v7 =	vor.u32 $0x18, v1  }
0xe9: {  	v12 =	vld.idx.msk [tilespmem:v8+s13+$0x0], $0xffff  }
0xea: {  	v2 =	vadd.f32 v3, v2;
	v3 =	vmul.f32 v4, v13;
	v4 =	vld.idx.msk [tilespmem:v8+s14+$0x0], $0xffff;
	v8 =	vor.u32 $0x19, v1  }
0xeb: {  	v13 =	vld.idx.msk [tilespmem:v9+s13+$0x0], $0xffff  }
0xec: {  	v2 =	vadd.f32 v3, v2;
	v3 =	vmul.f32 v5, v10;
	v5 =	vld.idx.msk [tilespmem:v9+s14+$0x0], $0xffff;
	v9 =	vor.u32 $0x1A, v1  }
0xed: {  	v10 =	vld.idx.msk [tilespmem:v7+s13+$0x0], $0xffff  }
0xee: {  	v2 =	vadd.f32 v3, v2;
	v3 =	vmul.f32 v6, v11;
	v6 =	vld.idx.msk [tilespmem:v7+s14+$0x0], $0xffff;
	v7 =	vor.u32 $0x1B, v1  }
0xef: {  	v11 =	vld.idx.msk [tilespmem:v8+s13+$0x0], $0xffff  }
0xf0: {  	v2 =	vadd.f32 v3, v2;
	v3 =	vmul.f32 v4, v12;
	v4 =	vld.idx.msk [tilespmem:v8+s14+$0x0], $0xffff;
	v8 =	vor.u32 $0x1C, v1  }
0xf1: {  	v12 =	vld.idx.msk [tilespmem:v9+s13+$0x0], $0xffff  }
0xf2: {  	v2 =	vadd.f32 v3, v2;
	v3 =	vmul.f32 v5, v13;
	v5 =	vld.idx.msk [tilespmem:v9+s14+$0x0], $0xffff;
	v9 =	vor.u32 $0x1D, v1  }
0xf3: {  	v13 =	vld.idx.msk [tilespmem:v7+s13+$0x0], $0xffff  }
0xf4: {  	v2 =	vadd.f32 v3, v2;
	v3 =	vmul.f32 v6, v10;
	v6 =	vld.idx.msk [tilespmem:v7+s14+$0x0], $0xffff;
	v7 =	vor.u32 $0x1E, v1  }
0xf5: {  	v10 =	vld.idx.msk [tilespmem:v8+s13+$0x0], $0xffff  }
0xf6: {  	v1 =	vor.u32 $0x1F, v1;
	v2 =	vadd.f32 v3, v2;
	v3 =	vmul.f32 v4, v11;
	v4 =	vld.idx.msk [tilespmem:v8+s14+$0x0], $0xffff  }
0xf7: {  	v8 =	vld.idx.msk [tilespmem:v9+s13+$0x0], $0xffff  }
0xf8: {  	v2 =	vadd.f32 v3, v2;
	v3 =	vmul.f32 v5, v12;
	v5 =	vld.idx.msk [tilespmem:v9+s14+$0x0], $0xffff  }
0xf9: {  	v9 =	vld.idx.msk [tilespmem:v7+s13+$0x0], $0xffff  }
0xfa: {  	v2 =	vadd.f32 v3, v2;
	v3 =	vmul.f32 v6, v13;
	v6 =	vld.idx.msk [tilespmem:v7+s14+$0x0], $0xffff  }
0xfb: {  	v7 =	vld.idx.msk [tilespmem:v1+s13+$0x0], $0xffff  }
0xfc: {  	v2 =	vadd.f32 v3, v2;
	v3 =	vmul.f32 v4, v10;
	v1 =	vld.idx.msk [tilespmem:v1+s14+$0x0], $0xffff;
	_ =	sdelay $0x1  }
0xfd: {  	v2 =	vadd.f32 v3, v2;
	v3 =	vmul.f32 v5, v8;
	_ =	sdelay $0x1  }
.Ltmp0:
0xfe: {  	v3 =	vadd.f32 v3, v2;
	v4 =	vmul.f32 v6, v9;
	(pc) =	sbr.rel @p0 .LBB2_2-.Ltmp0, $3  }
0xff: {  	v5 =	vor.u32 s20, v0  }
0x100: {  	v2 =	vshll.u32 v5, $0x3;
	v3 =	vadd.f32 v4, v3;
	v4 =	vmul.f32 v1, v7;
	_ =	sdelay $0x1  }
0x101: {  	s20 =	sadd.s32 $0x10, s20;
	v1 =	vshll.u32 v5, $0x5;
	v3 =	vadd.f32 v4, v3  }
0x102: {  	_ =	sdelay $0x1  }
0x103: {  	s20 =	sadd.s32 $0x10, s21  }
0x104: {  	v4 =	vor.u32 $0x1, v1;
	[tilespmem:s20+$0x0] =	vst v3  }
0x105: {  	v3 =	vld.idx.msk [tilespmem:v2+s16+$0x0], $0xffff  }
0x106: {  	v5 =	vor.u32 $0x2, v1;
	v2 =	vld.idx.msk [tilespmem:v2+s15+$0x0], $0xffff  }
0x107: {  	v6 =	vld.idx.msk [tilespmem:v1+s13+$0x0], $0xffff  }
0x108: {  	v8 =	vor.u32 $0x3, v1;
	v7 =	vld.idx.msk [tilespmem:v1+s14+$0x0], $0xffff  }
0x109: {  	v9 =	vld.idx.msk [tilespmem:v4+s13+$0x0], $0xffff  }
0x10a: {  	v10 =	vor.u32 $0x4, v1;
	v4 =	vld.idx.msk [tilespmem:v4+s14+$0x0], $0xffff  }
0x10b: {  	v11 =	vld.idx.msk [tilespmem:v5+s13+$0x0], $0xffff  }
0x10c: {  	v12 =	vor.u32 $0x5, v1;
	v5 =	vld.idx.msk [tilespmem:v5+s14+$0x0], $0xffff  }
0x10d: {  	v13 =	vld.idx.msk [tilespmem:v8+s13+$0x0], $0xffff;
	v2 =	vadd.f32 v3, v2;
	v3 =	vmul.f32 v7, v6  }
0x10e: {  	v32 =	vor.u32 $0x6, v1;
	v31 =	vld.idx.msk [tilespmem:v8+s14+$0x0], $0xffff  }
0x10f: {  	v33 =	vld.idx.msk [tilespmem:v10+s13+$0x0], $0xffff;
	v2 =	vadd.f32 v3, v2;
	v3 =	vmul.f32 v4, v9  }
0x110: {  	v35 =	vor.u32 $0x7, v1;
	v34 =	vld.idx.msk [tilespmem:v10+s14+$0x0], $0xffff  }
0x111: {  	v36 =	vld.idx.msk [tilespmem:v12+s13+$0x0], $0xffff;
	v2 =	vadd.f32 v3, v2;
	v3 =	vmul.f32 v5, v11  }
0x112: {  	v38 =	vor.u32 $0x8, v1;
	v37 =	vld.idx.msk [tilespmem:v12+s14+$0x0], $0xffff  }
0x113: {  	v39 =	vld.idx.msk [tilespmem:v32+s13+$0x0], $0xffff;
	v2 =	vadd.f32 v3, v2;
	v3 =	vmul.f32 v31, v13  }
0x114: {  	v41 =	vor.u32 $0x9, v1;
	v40 =	vld.idx.msk [tilespmem:v32+s14+$0x0], $0xffff  }
0x115: {  	v42 =	vld.idx.msk [tilespmem:v35+s13+$0x0], $0xffff;
	v2 =	vadd.f32 v3, v2;
	v3 =	vmul.f32 v34, v33  }
0x116: {  	v44 =	vor.u32 $0xA, v1;
	v43 =	vld.idx.msk [tilespmem:v35+s14+$0x0], $0xffff  }
0x117: {  	v45 =	vld.idx.msk [tilespmem:v38+s13+$0x0], $0xffff;
	v2 =	vadd.f32 v3, v2;
	v3 =	vmul.f32 v37, v36  }
0x118: {  	v47 =	vor.u32 $0xB, v1;
	v46 =	vld.idx.msk [tilespmem:v38+s14+$0x0], $0xffff  }
0x119: {  	v48 =	vld.idx.msk [tilespmem:v41+s13+$0x0], $0xffff;
	v2 =	vadd.f32 v3, v2;
	v3 =	vmul.f32 v40, v39  }
0x11a: {  	v50 =	vor.u32 $0xC, v1;
	v49 =	vld.idx.msk [tilespmem:v41+s14+$0x0], $0xffff  }
0x11b: {  	v51 =	vld.idx.msk [tilespmem:v44+s13+$0x0], $0xffff;
	v2 =	vadd.f32 v3, v2;
	v3 =	vmul.f32 v43, v42  }
0x11c: {  	v53 =	vor.u32 $0xD, v1;
	v52 =	vld.idx.msk [tilespmem:v44+s14+$0x0], $0xffff  }
0x11d: {  	v54 =	vld.idx.msk [tilespmem:v47+s13+$0x0], $0xffff;
	v2 =	vadd.f32 v3, v2;
	v3 =	vmul.f32 v46, v45  }
0x11e: {  	v56 =	vor.u32 $0xE, v1;
	v55 =	vld.idx.msk [tilespmem:v47+s14+$0x0], $0xffff  }
0x11f: {  	v57 =	vld.idx.msk [tilespmem:v50+s13+$0x0], $0xffff;
	v2 =	vadd.f32 v3, v2;
	v3 =	vmul.f32 v49, v48  }
0x120: {  	v59 =	vor.u32 $0xF, v1;
	v58 =	vld.idx.msk [tilespmem:v50+s14+$0x0], $0xffff  }
0x121: {  	v60 =	vld.idx.msk [tilespmem:v53+s13+$0x0], $0xffff;
	v2 =	vadd.f32 v3, v2;
	v3 =	vmul.f32 v52, v51  }
0x122: {  	v62 =	vor.u32 $0x10, v1;
	v61 =	vld.idx.msk [tilespmem:v53+s14+$0x0], $0xffff  }
0x123: {  	v63 =	vld.idx.msk [tilespmem:v56+s13+$0x0], $0xffff;
	v2 =	vadd.f32 v3, v2;
	v3 =	vmul.f32 v55, v54  }
0x124: {  	v17 =	vor.u32 $0x11, v1;
	v16 =	vld.idx.msk [tilespmem:v56+s14+$0x0], $0xffff  }
0x125: {  	v18 =	vld.idx.msk [tilespmem:v59+s13+$0x0], $0xffff;
	v2 =	vadd.f32 v3, v2;
	v3 =	vmul.f32 v58, v57  }
0x126: {  	v20 =	vor.u32 $0x12, v1;
	v19 =	vld.idx.msk [tilespmem:v59+s14+$0x0], $0xffff  }
0x127: {  	v21 =	vld.idx.msk [tilespmem:v62+s13+$0x0], $0xffff;
	v2 =	vadd.f32 v3, v2;
	v3 =	vmul.f32 v61, v60  }
0x128: {  	v23 =	vor.u32 $0x13, v1;
	v22 =	vld.idx.msk [tilespmem:v62+s14+$0x0], $0xffff  }
0x129: {  	v24 =	vld.idx.msk [tilespmem:v17+s13+$0x0], $0xffff;
	v2 =	vadd.f32 v3, v2;
	v3 =	vmul.f32 v16, v63  }
0x12a: {  	v26 =	vor.u32 $0x14, v1;
	v25 =	vld.idx.msk [tilespmem:v17+s14+$0x0], $0xffff  }
0x12b: {  	v27 =	vld.idx.msk [tilespmem:v20+s13+$0x0], $0xffff;
	v2 =	vadd.f32 v3, v2;
	v3 =	vmul.f32 v19, v18  }
0x12c: {  	v29 =	vor.u32 $0x15, v1;
	v28 =	vld.idx.msk [tilespmem:v20+s14+$0x0], $0xffff  }
0x12d: {  	v30 =	vld.idx.msk [tilespmem:v23+s13+$0x0], $0xffff;
	v2 =	vadd.f32 v3, v2;
	v3 =	vmul.f32 v22, v21  }
0x12e: {  	v32 =	vor.u32 $0x16, v1;
	v31 =	vld.idx.msk [tilespmem:v23+s14+$0x0], $0xffff  }
0x12f: {  	v33 =	vld.idx.msk [tilespmem:v26+s13+$0x0], $0xffff;
	v2 =	vadd.f32 v3, v2;
	v3 =	vmul.f32 v25, v24  }
0x130: {  	v35 =	vor.u32 $0x17, v1;
	v34 =	vld.idx.msk [tilespmem:v26+s14+$0x0], $0xffff  }
0x131: {  	v36 =	vld.idx.msk [tilespmem:v29+s13+$0x0], $0xffff;
	v2 =	vadd.f32 v3, v2;
	v3 =	vmul.f32 v28, v27  }
0x132: {  	v38 =	vor.u32 $0x18, v1;
	v37 =	vld.idx.msk [tilespmem:v29+s14+$0x0], $0xffff  }
0x133: {  	v39 =	vld.idx.msk [tilespmem:v32+s13+$0x0], $0xffff;
	v2 =	vadd.f32 v3, v2;
	v3 =	vmul.f32 v31, v30  }
0x134: {  	v41 =	vor.u32 $0x19, v1;
	v40 =	vld.idx.msk [tilespmem:v32+s14+$0x0], $0xffff  }
0x135: {  	v42 =	vld.idx.msk [tilespmem:v35+s13+$0x0], $0xffff;
	v2 =	vadd.f32 v3, v2;
	v3 =	vmul.f32 v34, v33  }
0x136: {  	v44 =	vor.u32 $0x1A, v1;
	v43 =	vld.idx.msk [tilespmem:v35+s14+$0x0], $0xffff  }
0x137: {  	v45 =	vld.idx.msk [tilespmem:v38+s13+$0x0], $0xffff;
	v2 =	vadd.f32 v3, v2;
	v3 =	vmul.f32 v37, v36  }
0x138: {  	v47 =	vor.u32 $0x1B, v1;
	v46 =	vld.idx.msk [tilespmem:v38+s14+$0x0], $0xffff  }
0x139: {  	v48 =	vld.idx.msk [tilespmem:v41+s13+$0x0], $0xffff;
	v2 =	vadd.f32 v3, v2;
	v3 =	vmul.f32 v40, v39  }
0x13a: {  	v50 =	vor.u32 $0x1C, v1;
	v49 =	vld.idx.msk [tilespmem:v41+s14+$0x0], $0xffff  }
0x13b: {  	v51 =	vld.idx.msk [tilespmem:v44+s13+$0x0], $0xffff;
	v2 =	vadd.f32 v3, v2;
	v3 =	vmul.f32 v43, v42  }
0x13c: {  	v53 =	vor.u32 $0x1D, v1;
	v52 =	vld.idx.msk [tilespmem:v44+s14+$0x0], $0xffff  }
0x13d: {  	v54 =	vld.idx.msk [tilespmem:v47+s13+$0x0], $0xffff;
	v2 =	vadd.f32 v3, v2;
	v3 =	vmul.f32 v46, v45  }
0x13e: {  	v56 =	vor.u32 $0x1E, v1;
	v55 =	vld.idx.msk [tilespmem:v47+s14+$0x0], $0xffff  }
0x13f: {  	v57 =	vld.idx.msk [tilespmem:v50+s13+$0x0], $0xffff;
	v2 =	vadd.f32 v3, v2;
	v3 =	vmul.f32 v49, v48  }
0x140: {  	v1 =	vor.u32 $0x1F, v1;
	v58 =	vld.idx.msk [tilespmem:v50+s14+$0x0], $0xffff  }
0x141: {  	v59 =	vld.idx.msk [tilespmem:v53+s13+$0x0], $0xffff;
	v2 =	vadd.f32 v3, v2;
	v3 =	vmul.f32 v52, v51  }
0x142: {  	v60 =	vld.idx.msk [tilespmem:v53+s14+$0x0], $0xffff  }
0x143: {  	v62 =	vld.idx.msk [tilespmem:v56+s14+$0x0], $0xffff;
	v2 =	vadd.f32 v3, v2;
	v3 =	vmul.f32 v55, v54  }
0x144: {  	v61 =	vld.idx.msk [tilespmem:v56+s13+$0x0], $0xffff  }
0x145: {  	v63 =	vld.idx.msk [tilespmem:v1+s13+$0x0], $0xffff;
	v2 =	vadd.f32 v3, v2;
	v3 =	vmul.f32 v58, v57  }
0x146: {  	v1 =	vld.idx.msk [tilespmem:v1+s14+$0x0], $0xffff  }
0x147: {  	v2 =	vadd.f32 v3, v2;
	v3 =	vmul.f32 v60, v59;
	_ =	sdelay $0x1  }
0x148: {  	v2 =	vadd.f32 v3, v2;
	v3 =	vmul.f32 v62, v61;
	_ =	sdelay $0x1  }
0x149: {  	v1 =	vmul.f32 v1, v63;
	v2 =	vadd.f32 v3, v2;
	_ =	sdelay $0x1  }
0x14a: {  	s19 =	sadd.s32 $0x1, s19;
	v1 =	vadd.f32 v1, v2  }
0x14b: {  	s20 =	sadd.s32 $0x10, s20;
	p0 =	sne.s32 s19, s10  }
.Ltmp1:
0x14c: {  	[tilespmem:s20+$0x0] =	vst v1;
	(pc) =	sbr.rel @p0 .LBB2_1-.Ltmp1, $4  }
0x14d: {  	[hbm4b:s9+s1] =	stream.linear.scatter [tilespmem:s18], [sflag:$0x2], $0x200, $0x38;
	[tilespmem:$0xA600] =	vst v63  }
0x14e: {  	_ =	swait.ge [sflag:s11], $0x200  }
0x14f: {  	[sflag:s11] =	ssyncset.done $0x0  }
0x150: {  	[sflag:s11] =	ssyncadd.s32 $0xFFFFFE00  }
0x151: {  	_ =	sfence.sel $0x180000  }
0x152: {  	[bflag:$0x0] =	sbarrier.arrive $0xFFFF  }
0x153: {  	p0 =	sne.s32 s2, $0x0;
	_ =	strace $0x90000047  }
0x154: {  	s0 =	sadd.s32 @!p0 $0x100000, s0;
	[bflag:$0x2] =	sbarrier.arrive $0xFFFF  }
0x155: {  	[sflag:s0] =	ssyncadd.tile.s32 @!p0 $0x1;
	_ =	shalt  }
.Lfunc_end2:
_tile_overlayer_lowered:
.L_overlay_start_2:
0x156: {  	(tag) =	ssettag $0x2  }
0x157: {  	s0 =	rddreg [dreg:$0x0];
	s2 =	stileid.u32  }
0x158: {  	s1 =	rddreg [dreg:$0x1];
	p0 =	sne.s32 s2, $0x0  }
0x159: {  	s3 =	rddreg [dreg:$0x2];
	[bflag:$0x3] =	sbarrier.arrive $0xFFFF;
	s2 =	simm.s32 @!p0 $0x1C02  }
0x15a: {  	[timem:s3], [sflag:s2] =	dma.local @!p0 [hbm:s0], s1  }
0x15b: {  	s0 =	simm.s32 @!p0 $0x2  }
0x15c: {  	_ =	swait.ge @!p0 [sflag:s0], s1  }
0x15d: {  	s1 =	ssub.s32 @!p0 $0x0, s1;
	[sflag:s0] =	ssyncset.done @!p0 $0x0  }
0x15e: {  	[sflag:s0] =	ssyncadd.s32 @!p0 s1  }
0x15f: {  	[bflag:$0x3] =	sbarrier.arrive $0xFFFF  }
0x160: {  	_ =	shalt  }

</sc_bundles>
